<compile_context>
chip_gen: v7x
topology: tpu7x:2x2x1
jax: 0.10.2.dev20260603
libtpu: 0.0.44.dev20260713+nightly
codegen_flags: <defaults>
</compile_context>

<pallas_src>
import functools

import jax
import jax.numpy as jnp
from jax import lax
from jax.experimental import pallas as pl
from jax.experimental.pallas import tpu as pltpu
from jax.experimental.pallas import tpu_sc as plsc

N_CLS = 1024
L_TXT = 61
N_CTX = 16
SEQ = 77
D_MODEL = 512
NW = 32
CPW = N_CLS // NW
LANES = 16

L_PAD = 64
GATH_OFF = 16
BUF_ROWS = GATH_OFF + L_PAD


def _issue_in(c, i, buf, sem, table_hbm, ctx_hbm, idx_v):
    pltpu.async_copy(table_hbm.at[idx_v.at[i]],
                     buf.at[pl.ds(GATH_OFF, L_PAD)], sem)
    pltpu.async_copy(ctx_hbm.at[c], buf.at[pl.ds(0, N_CTX)], sem)


def _drain_in(c, i, buf, sem, table_hbm, ctx_hbm, idx_v):
    pltpu.make_async_copy(table_hbm.at[idx_v.at[i]],
                          buf.at[pl.ds(GATH_OFF, L_PAD)], sem).wait()
    pltpu.make_async_copy(ctx_hbm.at[c], buf.at[pl.ds(0, N_CTX)], sem).wait()


def _store(c, buf, out_hbm):
    pltpu.sync_copy(buf.at[pl.ds(GATH_OFF, 1)], out_hbm.at[c, pl.ds(0, 1)])
    pltpu.sync_copy(buf.at[pl.ds(0, N_CTX)], out_hbm.at[c, pl.ds(1, N_CTX)])
    pltpu.sync_copy(buf.at[pl.ds(GATH_OFF + 1, L_TXT - 1)],
                    out_hbm.at[c, pl.ds(N_CTX + 1, L_TXT - 1)])


def _sc_body(prompt_hbm, ptb_hbm, ctx_hbm, table_hbm, out_hbm, eos_hbm,
             idx_v, buf_a, buf_b, pt_v, eos_v, sem_a, sem_b):
    num_cores = 2
    wid = lax.axis_index("s") * num_cores + lax.axis_index("c")
    base = wid * CPW

    pltpu.sync_copy(prompt_hbm.at[pl.ds(base, CPW)], idx_v)
    pltpu.sync_copy(ptb_hbm.at[wid], pt_v)

    _issue_in(base, 0, buf_a, sem_a, table_hbm, ctx_hbm, idx_v)

    for g in range(CPW // LANES):
        def jbody(j, carry):
            m, am = carry
            v = pt_v[j, pl.ds(g * LANES, LANES)]
            upd = v > m
            return jnp.maximum(m, v), jnp.where(upd, j, am)

        m0 = jnp.full((LANES,), jnp.iinfo(jnp.int32).min, jnp.int32)
        am0 = jnp.zeros((LANES,), jnp.int32)
        _, am = lax.fori_loop(0, L_TXT, jbody, (m0, am0))
        eos_v[pl.ds(g * LANES, LANES)] = am + N_CTX
    pltpu.sync_copy(eos_v, eos_hbm.at[pl.ds(base, CPW)])

    def loop_body(i2, carry):
        i = 2 * i2
        _issue_in(base + i + 1, i + 1, buf_b, sem_b, table_hbm, ctx_hbm, idx_v)
        _drain_in(base + i, i, buf_a, sem_a, table_hbm, ctx_hbm, idx_v)
        _store(base + i, buf_a, out_hbm)
        inext = jnp.minimum(i + 2, CPW - 1)
        _issue_in(base + inext, inext, buf_a, sem_a, table_hbm, ctx_hbm, idx_v)
        _drain_in(base + i + 1, i + 1, buf_b, sem_b, table_hbm, ctx_hbm, idx_v)
        _store(base + i + 1, buf_b, out_hbm)
        return carry

    lax.fori_loop(0, CPW // 2, loop_body, 0)
    _drain_in(base + CPW - 1, CPW - 1, buf_a, sem_a, table_hbm, ctx_hbm, idx_v)


@functools.partial(
    pl.kernel,
    mesh=plsc.VectorSubcoreMesh(core_axis_name="c", subcore_axis_name="s"),
    compiler_params=pltpu.CompilerParams(use_tc_tiling_on_sc=False),
    out_type=(
        jax.ShapeDtypeStruct((N_CLS, SEQ, D_MODEL), jnp.float32),
        jax.ShapeDtypeStruct((N_CLS,), jnp.int32),
    ),
    scratch_types=[
        pltpu.VMEM((CPW, L_PAD), jnp.int32),
        pltpu.VMEM((BUF_ROWS, D_MODEL), jnp.float32),
        pltpu.VMEM((BUF_ROWS, D_MODEL), jnp.float32),
        pltpu.VMEM((L_TXT, CPW), jnp.int32),
        pltpu.VMEM((CPW,), jnp.int32),
        pltpu.SemaphoreType.DMA,
        pltpu.SemaphoreType.DMA,
    ],
)
def _prompt_learner_sc(prompt_hbm, ptb_hbm, ctx_hbm, table_hbm,
                       out_hbm, eos_hbm, idx_v, buf_a, buf_b, pt_v, eos_v,
                       sem_a, sem_b):
    _sc_body(prompt_hbm, ptb_hbm, ctx_hbm, table_hbm, out_hbm, eos_hbm,
             idx_v, buf_a, buf_b, pt_v, eos_v, sem_a, sem_b)


def kernel(prompt, ctx_embedding, token_embedding):
    prompt_pad = jnp.pad(prompt, ((0, 0), (0, L_PAD - L_TXT)))
    ptb = jnp.transpose(prompt.reshape(NW, CPW, L_TXT), (0, 2, 1))
    token, eos = _prompt_learner_sc(prompt_pad, ptb, ctx_embedding,
                                    token_embedding)
    return (token, eos)

# --- scband reference (transcript-rebuilt; emitter-appended) ---
"""Pipeline reference for scband-prompt-learner-11940009083168 (READ-ONLY COPY).

The authoritative reference and input builder live on the scoring server;
editing this copy changes nothing except your own understanding.
"""

import jax, jax.numpy as jnp
import numpy as np

N_CLASSES = 1024
CONTEXT_LENGTH = 77
NUM_LEARNABLE = 16
VOCAB = 49408
D_MODEL = 512


def setup_inputs(seed: int = 0) -> dict:
    key = jax.random.key(seed)
    k1, k2, k3 = jax.random.split(key, 3)
    # tokenized suffix text: [n_classes, context_length - num_learnable_tokens]
    prompt = jax.random.randint(
        k1, (N_CLASSES, CONTEXT_LENGTH - NUM_LEARNABLE), 0, VOCAB, dtype=jnp.int32
    )
    # learnable context embedding parameter: [n_classes, num_learnable_tokens, d]
    ctx_embedding = jax.random.normal(
        k2, (N_CLASSES, NUM_LEARNABLE, D_MODEL), dtype=jnp.float32
    ) * 0.02
    # CLIP token embedding table: [vocab, d]
    token_embedding = jax.random.normal(
        k3, (VOCAB, D_MODEL), dtype=jnp.float32
    ) * 0.02
    return {
        "prompt": prompt,
        "ctx_embedding": ctx_embedding,
        "token_embedding": token_embedding,
    }


def reference(prompt, ctx_embedding, token_embedding):
    # embedding lookup (torch: self.token_embedding(prompt) under no_grad)
    embedding = jnp.take(token_embedding, prompt, axis=0)  # [n_cls, L, d]
    prefix_token = embedding[:, :1, :]
    suffix_token = embedding[:, 1:, :]
    ctx = ctx_embedding
    token = jnp.concatenate([prefix_token, ctx, suffix_token], axis=1)  # [n_cls, 77, d]
    eos_position = NUM_LEARNABLE + jnp.argmax(prompt, axis=-1)
    return (token, eos_position)

if __name__ == "__main__":
    import jax
    _d = setup_inputs()
    print(jax.jit(kernel)(*tuple(_d.values())))

</pallas_src>

<mosaic_0001>
#map = affine_map<(d0, d1) -> (0, 0)>
#map1 = affine_map<(d0, d1) -> (0, 0, 0)>
#map2 = affine_map<(d0, d1) -> (0)>
module attributes {stable_mosaic.version = 14 : i64} {
  func.func @_prompt_learner_sc(%arg0: i32, %arg1: i32, %arg2: memref<1024x64xi32, #tpu.memory_space<hbm>>, %arg3: memref<32x61x32xi32, #tpu.memory_space<hbm>>, %arg4: memref<1024x16x512xf32, #tpu.memory_space<hbm>>, %arg5: memref<49408x512xf32, #tpu.memory_space<hbm>>, %arg6: memref<1024x77x512xf32, #tpu.memory_space<hbm>>, %arg7: memref<1024xi32, #tpu.memory_space<hbm>>, %arg8: memref<32x64xi32, #tpu.memory_space<vmem>>, %arg9: memref<80x512xf32, #tpu.memory_space<vmem>>, %arg10: memref<80x512xf32, #tpu.memory_space<vmem>>, %arg11: memref<61x32xi32, #tpu.memory_space<vmem>>, %arg12: memref<32xi32, #tpu.memory_space<vmem>>, %arg13: memref<!tpu.dma_semaphore, #tpu.memory_space<semaphore_mem>>, %arg14: memref<!tpu.dma_semaphore, #tpu.memory_space<semaphore_mem>>) attributes {dimension_semantics = [#tpu.dimension_semantics<core_parallel>, #tpu.dimension_semantics<subcore_parallel>], iteration_bounds = array<i64: 2, 16>, scalar_prefetch = 0 : i64, scratch_operands = 7 : i64, tpu.core_type = #tpu.core_type<sc_vector_subcore>, window_params = [{transform_indices = #map}, {transform_indices = #map1}, {transform_indices = #map1}, {transform_indices = #map}, {transform_indices = #map1}, {transform_indices = #map2}]} {
    %mul3A = arith.constant 2 : i32
    %mul3A_0 = arith.muli %arg1, %mul3A : i32
    %add3A = arith.addi %mul3A_0, %arg0 : i32
    %mul3A_1 = arith.constant 32 : i32
    %mul3A_2 = arith.muli %add3A, %mul3A_1 : i32
    "tpu.region"() ({
      %run_scoped3A = tpu.sem_alloc : memref<!tpu.dma_semaphore, #tpu.memory_space<semaphore_mem>>
      %dma_start3A_89 = arith.constant 0 : i32
      %dma_start3A_90 = tpu.memref_slice %arg2[%mul3A_2, %dma_start3A_89] : memref<1024x64xi32, #tpu.memory_space<hbm>> -> memref<32x64xi32, #tpu.memory_space<hbm>>
      %dma_start3A_91 = arith.constant 0 : i32
      %dma_start3A_92 = tpu.memref_slice %arg2[%mul3A_2, %dma_start3A_91] : memref<1024x64xi32, #tpu.memory_space<hbm>> -> memref<32x64xi32, #tpu.memory_space<hbm>>
      tpu.enqueue_dma source(%dma_start3A_92 : memref<32x64xi32, #tpu.memory_space<hbm>>) target(%arg8 : memref<32x64xi32, #tpu.memory_space<vmem>>) target_semaphore(%run_scoped3A : memref<!tpu.dma_semaphore, #tpu.memory_space<semaphore_mem>>)
      %dma_wait3A_93 = arith.constant 0 : i32
      %dma_wait3A_94 = tpu.memref_slice %arg2[%mul3A_2, %dma_wait3A_93] : memref<1024x64xi32, #tpu.memory_space<hbm>> -> memref<32x64xi32, #tpu.memory_space<hbm>>
      %dma_wait3A_95 = arith.constant 0 : i32
      %dma_wait3A_96 = tpu.memref_slice %arg2[%mul3A_2, %dma_wait3A_95] : memref<1024x64xi32, #tpu.memory_space<hbm>> -> memref<32x64xi32, #tpu.memory_space<hbm>>
      tpu.wait_dma2 semaphore(%run_scoped3A : memref<!tpu.dma_semaphore, #tpu.memory_space<semaphore_mem>>) src(%dma_wait3A_96 : memref<32x64xi32, #tpu.memory_space<hbm>>) dst(%arg8 : memref<32x64xi32, #tpu.memory_space<vmem>>)
      tpu.yield
    }) : () -> ()
    "tpu.region"() ({
      %run_scoped3A = tpu.sem_alloc : memref<!tpu.dma_semaphore, #tpu.memory_space<semaphore_mem>>
      %dma_start3A_89 = arith.constant 0 : i32
      %dma_start3A_90 = arith.constant 0 : i32
      %dma_start3A_91 = tpu.memref_slice %arg3[%add3A, %dma_start3A_89, %dma_start3A_90] : memref<32x61x32xi32, #tpu.memory_space<hbm>> -> memref<1x61x32xi32, #tpu.memory_space<hbm>>
      %dma_start3A_92 = tpu.memref_squeeze %dma_start3A_91 : memref<1x61x32xi32, #tpu.memory_space<hbm>> -> memref<61x32xi32, #tpu.memory_space<hbm>>
      %dma_start3A_93 = arith.constant 0 : i32
      %dma_start3A_94 = arith.constant 0 : i32
      %dma_start3A_95 = tpu.memref_slice %arg3[%add3A, %dma_start3A_93, %dma_start3A_94] : memref<32x61x32xi32, #tpu.memory_space<hbm>> -> memref<1x61x32xi32, #tpu.memory_space<hbm>>
      %dma_start3A_96 = tpu.memref_squeeze %dma_start3A_95 : memref<1x61x32xi32, #tpu.memory_space<hbm>> -> memref<61x32xi32, #tpu.memory_space<hbm>>
      tpu.enqueue_dma source(%dma_start3A_96 : memref<61x32xi32, #tpu.memory_space<hbm>>) target(%arg11 : memref<61x32xi32, #tpu.memory_space<vmem>>) target_semaphore(%run_scoped3A : memref<!tpu.dma_semaphore, #tpu.memory_space<semaphore_mem>>)
      %dma_wait3A_97 = arith.constant 0 : i32
      %dma_wait3A_98 = arith.constant 0 : i32
      %dma_wait3A_99 = tpu.memref_slice %arg3[%add3A, %dma_wait3A_97, %dma_wait3A_98] : memref<32x61x32xi32, #tpu.memory_space<hbm>> -> memref<1x61x32xi32, #tpu.memory_space<hbm>>
      %dma_wait3A_100 = tpu.memref_squeeze %dma_wait3A_99 : memref<1x61x32xi32, #tpu.memory_space<hbm>> -> memref<61x32xi32, #tpu.memory_space<hbm>>
      %dma_wait3A_101 = arith.constant 0 : i32
      %dma_wait3A_102 = arith.constant 0 : i32
      %dma_wait3A_103 = tpu.memref_slice %arg3[%add3A, %dma_wait3A_101, %dma_wait3A_102] : memref<32x61x32xi32, #tpu.memory_space<hbm>> -> memref<1x61x32xi32, #tpu.memory_space<hbm>>
      %dma_wait3A_104 = tpu.memref_squeeze %dma_wait3A_103 : memref<1x61x32xi32, #tpu.memory_space<hbm>> -> memref<61x32xi32, #tpu.memory_space<hbm>>
      tpu.wait_dma2 semaphore(%run_scoped3A : memref<!tpu.dma_semaphore, #tpu.memory_space<semaphore_mem>>) src(%dma_wait3A_104 : memref<61x32xi32, #tpu.memory_space<hbm>>) dst(%arg11 : memref<61x32xi32, #tpu.memory_space<vmem>>)
      tpu.yield
    }) : () -> ()
    %dma_start3A = arith.constant 0 : i32
    %dma_start3A_3 = arith.constant 16 : i32
    %dma_start3A_4 = arith.constant 0 : i32
    %dma_start3A_5 = tpu.memref_slice %arg9[%dma_start3A_3, %dma_start3A_4] : memref<80x512xf32, #tpu.memory_space<vmem>> -> memref<64x512xf32, #tpu.memory_space<vmem>>
    %dma_start3A_6 = arith.constant 0 : i32
    %dma_start3A_7 = tpu.memref_slice %arg8[%dma_start3A, %dma_start3A_6] : memref<32x64xi32, #tpu.memory_space<vmem>> -> memref<1x64xi32, #tpu.memory_space<vmem>>
    %dma_start3A_8 = tpu.memref_squeeze %dma_start3A_7 : memref<1x64xi32, #tpu.memory_space<vmem>> -> memref<64xi32, #tpu.memory_space<vmem>>
    %dma_start3A_9 = arith.constant 0 : i32
    %dma_start3A_10 = arith.constant 0 : i32
    %dma_start3A_11 = tpu.memref_slice %arg5[%dma_start3A_9, %dma_start3A_10] : memref<49408x512xf32, #tpu.memory_space<hbm>> -> memref<49408x512xf32, #tpu.memory_space<hbm>>
    tpu.enqueue_indirect_dma source(%dma_start3A_11 : memref<49408x512xf32, #tpu.memory_space<hbm>>) target(%dma_start3A_5 : memref<64x512xf32, #tpu.memory_space<vmem>>) offsets(%dma_start3A_8 : memref<64xi32, #tpu.memory_space<vmem>>) semaphore(%arg13 : memref<!tpu.dma_semaphore, #tpu.memory_space<semaphore_mem>>)
    %dma_start3A_12 = arith.constant 0 : i32
    %dma_start3A_13 = arith.constant 0 : i32
    %dma_start3A_14 = tpu.memref_slice %arg9[%dma_start3A_12, %dma_start3A_13] : memref<80x512xf32, #tpu.memory_space<vmem>> -> memref<16x512xf32, #tpu.memory_space<vmem>>
    %dma_start3A_15 = arith.constant 0 : i32
    %dma_start3A_16 = arith.constant 0 : i32
    %dma_start3A_17 = tpu.memref_slice %arg4[%mul3A_2, %dma_start3A_15, %dma_start3A_16] : memref<1024x16x512xf32, #tpu.memory_space<hbm>> -> memref<1x16x512xf32, #tpu.memory_space<hbm>>
    %dma_start3A_18 = tpu.memref_squeeze %dma_start3A_17 : memref<1x16x512xf32, #tpu.memory_space<hbm>> -> memref<16x512xf32, #tpu.memory_space<hbm>>
    %dma_start3A_19 = arith.constant 0 : i32
    %dma_start3A_20 = arith.constant 0 : i32
    %dma_start3A_21 = tpu.memref_slice %arg9[%dma_start3A_19, %dma_start3A_20] : memref<80x512xf32, #tpu.memory_space<vmem>> -> memref<16x512xf32, #tpu.memory_space<vmem>>
    %dma_start3A_22 = arith.constant 0 : i32
    %dma_start3A_23 = arith.constant 0 : i32
    %dma_start3A_24 = tpu.memref_slice %arg4[%mul3A_2, %dma_start3A_22, %dma_start3A_23] : memref<1024x16x512xf32, #tpu.memory_space<hbm>> -> memref<1x16x512xf32, #tpu.memory_space<hbm>>
    %dma_start3A_25 = tpu.memref_squeeze %dma_start3A_24 : memref<1x16x512xf32, #tpu.memory_space<hbm>> -> memref<16x512xf32, #tpu.memory_space<hbm>>
    tpu.enqueue_dma source(%dma_start3A_25 : memref<16x512xf32, #tpu.memory_space<hbm>>) target(%dma_start3A_21 : memref<16x512xf32, #tpu.memory_space<vmem>>) target_semaphore(%arg13 : memref<!tpu.dma_semaphore, #tpu.memory_space<semaphore_mem>>)
    %broadcast_in_dim3A = arith.constant -2147483648 : i32
    %broadcast_in_dim3A_26 = vector.broadcast %broadcast_in_dim3A : i32 to vector<16xi32>
    %broadcast_in_dim3A_27 = arith.constant 0 : i32
    %broadcast_in_dim3A_28 = vector.broadcast %broadcast_in_dim3A_27 : i32 to vector<16xi32>
    %scan3A = arith.constant 0 : i32
    %scan3A_29 = arith.constant 61 : i32
    %scan3A_30 = arith.addi %scan3A, %scan3A_29 : i32
    %scan3A_31 = arith.constant 1 : i32
    %scan3A_32:2 = scf.for %scan3A_89 = %scan3A to %scan3A_30 step %scan3A_31 iter_args(%scan3A_90 = %broadcast_in_dim3A_26, %scan3A_91 = %broadcast_in_dim3A_28) -> (vector<16xi32>, vector<16xi32>)  : i32 {
      %get3A = arith.index_cast %scan3A_89 : i32 to index
      %get3A_92 = arith.constant 0 : index
      %get3A_93 = tpu.vector_load %arg11[%get3A, %get3A_92] {strides = array<i32>} : memref<61x32xi32, #tpu.memory_space<vmem>>, vector<1x16xi32>,
      %get3A_94 = vector.shape_cast %get3A_93 : vector<1x16xi32> to vector<16xi32>
      %gt3A = arith.cmpi sgt, %get3A_94, %scan3A_90 : vector<16xi32>
      %max3A = arith.maxsi %scan3A_90, %get3A_94 : vector<16xi32>
      %broadcast_in_dim3A_95 = vector.broadcast %scan3A_89 : i32 to vector<16xi32>
      %select_n3A = arith.select %gt3A, %broadcast_in_dim3A_95, %scan3A_91 : vector<16xi1>, vector<16xi32>
      scf.yield %max3A, %select_n3A : vector<16xi32>, vector<16xi32>
    }
    %scan3A_33 = arith.constant 61 : i32
    %add3A_34 = arith.constant 16 : i32
    %add3A_35 = vector.broadcast %add3A_34 : i32 to vector<16xi32>
    %add3A_36 = arith.addi %scan3A_32#1, %add3A_35 : vector<16xi32>
    %swap3A = arith.constant 0 : index
    %swap3A_37 = tpu.vector_load %arg12[%swap3A] {strides = array<i32>} : memref<32xi32, #tpu.memory_space<vmem>>, vector<16xi32>,
    %swap3A_38 = vector.shape_cast %swap3A_37 : vector<16xi32> to vector<16xi32>
    %swap3A_39 = vector.shape_cast %add3A_36 : vector<16xi32> to vector<16xi32>
    tpu.vector_store %arg12[%swap3A], %swap3A_39 {strides = array<i32>} : memref<32xi32, #tpu.memory_space<vmem>>, vector<16xi32>,
    %broadcast_in_dim3A_40 = arith.constant -2147483648 : i32
    %broadcast_in_dim3A_41 = vector.broadcast %broadcast_in_dim3A_40 : i32 to vector<16xi32>
    %broadcast_in_dim3A_42 = arith.constant 0 : i32
    %broadcast_in_dim3A_43 = vector.broadcast %broadcast_in_dim3A_42 : i32 to vector<16xi32>
    %scan3A_44 = arith.constant 0 : i32
    %scan3A_45 = arith.constant 61 : i32
    %scan3A_46 = arith.addi %scan3A_44, %scan3A_45 : i32
    %scan3A_47 = arith.constant 1 : i32
    %scan3A_48:2 = scf.for %scan3A_89 = %scan3A_44 to %scan3A_46 step %scan3A_47 iter_args(%scan3A_90 = %broadcast_in_dim3A_41, %scan3A_91 = %broadcast_in_dim3A_43) -> (vector<16xi32>, vector<16xi32>)  : i32 {
      %get3A = arith.index_cast %scan3A_89 : i32 to index
      %get3A_92 = arith.constant 16 : index
      %get3A_93 = tpu.vector_load %arg11[%get3A, %get3A_92] {strides = array<i32>} : memref<61x32xi32, #tpu.memory_space<vmem>>, vector<1x16xi32>,
      %get3A_94 = vector.shape_cast %get3A_93 : vector<1x16xi32> to vector<16xi32>
      %gt3A = arith.cmpi sgt, %get3A_94, %scan3A_90 : vector<16xi32>
      %max3A = arith.maxsi %scan3A_90, %get3A_94 : vector<16xi32>
      %broadcast_in_dim3A_95 = vector.broadcast %scan3A_89 : i32 to vector<16xi32>
      %select_n3A = arith.select %gt3A, %broadcast_in_dim3A_95, %scan3A_91 : vector<16xi1>, vector<16xi32>
      scf.yield %max3A, %select_n3A : vector<16xi32>, vector<16xi32>
    }
    %scan3A_49 = arith.constant 61 : i32
    %add3A_50 = arith.constant 16 : i32
    %add3A_51 = vector.broadcast %add3A_50 : i32 to vector<16xi32>
    %add3A_52 = arith.addi %scan3A_48#1, %add3A_51 : vector<16xi32>
    %swap3A_53 = arith.constant 16 : index
    %swap3A_54 = tpu.vector_load %arg12[%swap3A_53] {strides = array<i32>} : memref<32xi32, #tpu.memory_space<vmem>>, vector<16xi32>,
    %swap3A_55 = vector.shape_cast %swap3A_54 : vector<16xi32> to vector<16xi32>
    %swap3A_56 = vector.shape_cast %add3A_52 : vector<16xi32> to vector<16xi32>
    tpu.vector_store %arg12[%swap3A_53], %swap3A_56 {strides = array<i32>} : memref<32xi32, #tpu.memory_space<vmem>>, vector<16xi32>,
    "tpu.region"() ({
      %run_scoped3A = tpu.sem_alloc : memref<!tpu.dma_semaphore, #tpu.memory_space<semaphore_mem>>
      %dma_start3A_89 = tpu.memref_slice %arg7[%mul3A_2] : memref<1024xi32, #tpu.memory_space<hbm>> -> memref<32xi32, #tpu.memory_space<hbm>>
      %dma_start3A_90 = tpu.memref_slice %arg7[%mul3A_2] : memref<1024xi32, #tpu.memory_space<hbm>> -> memref<32xi32, #tpu.memory_space<hbm>>
      tpu.enqueue_dma source(%arg12 : memref<32xi32, #tpu.memory_space<vmem>>) target(%dma_start3A_90 : memref<32xi32, #tpu.memory_space<hbm>>) target_semaphore(%run_scoped3A : memref<!tpu.dma_semaphore, #tpu.memory_space<semaphore_mem>>)
      %dma_wait3A_91 = tpu.memref_slice %arg7[%mul3A_2] : memref<1024xi32, #tpu.memory_space<hbm>> -> memref<32xi32, #tpu.memory_space<hbm>>
      %dma_wait3A_92 = tpu.memref_slice %arg7[%mul3A_2] : memref<1024xi32, #tpu.memory_space<hbm>> -> memref<32xi32, #tpu.memory_space<hbm>>
      tpu.wait_dma2 semaphore(%run_scoped3A : memref<!tpu.dma_semaphore, #tpu.memory_space<semaphore_mem>>) src(%arg12 : memref<32xi32, #tpu.memory_space<vmem>>) dst(%dma_wait3A_92 : memref<32xi32, #tpu.memory_space<hbm>>)
      tpu.yield
    }) : () -> ()
    %scan3A_57 = arith.constant 0 : i32
    %scan3A_58 = arith.constant 0 : i32
    %scan3A_59 = arith.constant 16 : i32
    %scan3A_60 = arith.addi %scan3A_58, %scan3A_59 : i32
    %scan3A_61 = arith.constant 1 : i32
    scf.for %scan3A_89 = %scan3A_58 to %scan3A_60 step %scan3A_61  : i32 {
      %mul3A_90 = arith.constant 2 : i32
      %mul3A_91 = arith.muli %mul3A_90, %scan3A_89 : i32
      %add3A_92 = arith.addi %mul3A_2, %mul3A_91 : i32
      %add3A_93 = arith.constant 1 : i32
      %add3A_94 = arith.addi %add3A_92, %add3A_93 : i32
      %add3A_95 = arith.constant 1 : i32
      %add3A_96 = arith.addi %mul3A_91, %add3A_95 : i32
      %dma_start3A_97 = arith.constant 16 : i32
      %dma_start3A_98 = arith.constant 0 : i32
      %dma_start3A_99 = tpu.memref_slice %arg10[%dma_start3A_97, %dma_start3A_98] : memref<80x512xf32, #tpu.memory_space<vmem>> -> memref<64x512xf32, #tpu.memory_space<vmem>>
      %dma_start3A_100 = arith.constant 0 : i32
      %dma_start3A_101 = tpu.memref_slice %arg8[%add3A_96, %dma_start3A_100] : memref<32x64xi32, #tpu.memory_space<vmem>> -> memref<1x64xi32, #tpu.memory_space<vmem>>
      %dma_start3A_102 = tpu.memref_squeeze %dma_start3A_101 : memref<1x64xi32, #tpu.memory_space<vmem>> -> memref<64xi32, #tpu.memory_space<vmem>>
      %dma_start3A_103 = arith.constant 0 : i32
      %dma_start3A_104 = arith.constant 0 : i32
      %dma_start3A_105 = tpu.memref_slice %arg5[%dma_start3A_103, %dma_start3A_104] : memref<49408x512xf32, #tpu.memory_space<hbm>> -> memref<49408x512xf32, #tpu.memory_space<hbm>>
      tpu.enqueue_indirect_dma source(%dma_start3A_105 : memref<49408x512xf32, #tpu.memory_space<hbm>>) target(%dma_start3A_99 : memref<64x512xf32, #tpu.memory_space<vmem>>) offsets(%dma_start3A_102 : memref<64xi32, #tpu.memory_space<vmem>>) semaphore(%arg14 : memref<!tpu.dma_semaphore, #tpu.memory_space<semaphore_mem>>)
      %dma_start3A_106 = arith.constant 0 : i32
      %dma_start3A_107 = arith.constant 0 : i32
      %dma_start3A_108 = tpu.memref_slice %arg10[%dma_start3A_106, %dma_start3A_107] : memref<80x512xf32, #tpu.memory_space<vmem>> -> memref<16x512xf32, #tpu.memory_space<vmem>>
      %dma_start3A_109 = arith.constant 0 : i32
      %dma_start3A_110 = arith.constant 0 : i32
      %dma_start3A_111 = tpu.memref_slice %arg4[%add3A_94, %dma_start3A_109, %dma_start3A_110] : memref<1024x16x512xf32, #tpu.memory_space<hbm>> -> memref<1x16x512xf32, #tpu.memory_space<hbm>>
      %dma_start3A_112 = tpu.memref_squeeze %dma_start3A_111 : memref<1x16x512xf32, #tpu.memory_space<hbm>> -> memref<16x512xf32, #tpu.memory_space<hbm>>
      %dma_start3A_113 = arith.constant 0 : i32
      %dma_start3A_114 = arith.constant 0 : i32
      %dma_start3A_115 = tpu.memref_slice %arg10[%dma_start3A_113, %dma_start3A_114] : memref<80x512xf32, #tpu.memory_space<vmem>> -> memref<16x512xf32, #tpu.memory_space<vmem>>
      %dma_start3A_116 = arith.constant 0 : i32
      %dma_start3A_117 = arith.constant 0 : i32
      %dma_start3A_118 = tpu.memref_slice %arg4[%add3A_94, %dma_start3A_116, %dma_start3A_117] : memref<1024x16x512xf32, #tpu.memory_space<hbm>> -> memref<1x16x512xf32, #tpu.memory_space<hbm>>
      %dma_start3A_119 = tpu.memref_squeeze %dma_start3A_118 : memref<1x16x512xf32, #tpu.memory_space<hbm>> -> memref<16x512xf32, #tpu.memory_space<hbm>>
      tpu.enqueue_dma source(%dma_start3A_119 : memref<16x512xf32, #tpu.memory_space<hbm>>) target(%dma_start3A_115 : memref<16x512xf32, #tpu.memory_space<vmem>>) target_semaphore(%arg14 : memref<!tpu.dma_semaphore, #tpu.memory_space<semaphore_mem>>)
      %add3A_120 = arith.addi %mul3A_2, %mul3A_91 : i32
      %dma_wait3A_121 = arith.constant 16 : i32
      %dma_wait3A_122 = arith.constant 0 : i32
      %dma_wait3A_123 = tpu.memref_slice %arg9[%dma_wait3A_121, %dma_wait3A_122] : memref<80x512xf32, #tpu.memory_space<vmem>> -> memref<64x512xf32, #tpu.memory_space<vmem>>
      %dma_wait3A_124 = arith.constant 0 : i32
      %dma_wait3A_125 = tpu.memref_slice %arg8[%mul3A_91, %dma_wait3A_124] : memref<32x64xi32, #tpu.memory_space<vmem>> -> memref<1x64xi32, #tpu.memory_space<vmem>>
      %dma_wait3A_126 = tpu.memref_squeeze %dma_wait3A_125 : memref<1x64xi32, #tpu.memory_space<vmem>> -> memref<64xi32, #tpu.memory_space<vmem>>
      %dma_wait3A_127 = arith.constant 0 : i32
      %dma_wait3A_128 = arith.constant 0 : i32
      %dma_wait3A_129 = tpu.memref_slice %arg5[%dma_wait3A_127, %dma_wait3A_128] : memref<49408x512xf32, #tpu.memory_space<hbm>> -> memref<49408x512xf32, #tpu.memory_space<hbm>>
      tpu.wait_indirect_dma semaphore(%arg13 : memref<!tpu.dma_semaphore, #tpu.memory_space<semaphore_mem>>) src(%dma_wait3A_129 : memref<49408x512xf32, #tpu.memory_space<hbm>>) dst(%dma_wait3A_123 : memref<64x512xf32, #tpu.memory_space<vmem>>)
      %dma_wait3A_130 = arith.constant 0 : i32
      %dma_wait3A_131 = arith.constant 0 : i32
      %dma_wait3A_132 = tpu.memref_slice %arg9[%dma_wait3A_130, %dma_wait3A_131] : memref<80x512xf32, #tpu.memory_space<vmem>> -> memref<16x512xf32, #tpu.memory_space<vmem>>
      %dma_wait3A_133 = arith.constant 0 : i32
      %dma_wait3A_134 = arith.constant 0 : i32
      %dma_wait3A_135 = tpu.memref_slice %arg4[%add3A_120, %dma_wait3A_133, %dma_wait3A_134] : memref<1024x16x512xf32, #tpu.memory_space<hbm>> -> memref<1x16x512xf32, #tpu.memory_space<hbm>>
      %dma_wait3A_136 = tpu.memref_squeeze %dma_wait3A_135 : memref<1x16x512xf32, #tpu.memory_space<hbm>> -> memref<16x512xf32, #tpu.memory_space<hbm>>
      %dma_wait3A_137 = arith.constant 0 : i32
      %dma_wait3A_138 = arith.constant 0 : i32
      %dma_wait3A_139 = tpu.memref_slice %arg9[%dma_wait3A_137, %dma_wait3A_138] : memref<80x512xf32, #tpu.memory_space<vmem>> -> memref<16x512xf32, #tpu.memory_space<vmem>>
      %dma_wait3A_140 = arith.constant 0 : i32
      %dma_wait3A_141 = arith.constant 0 : i32
      %dma_wait3A_142 = tpu.memref_slice %arg4[%add3A_120, %dma_wait3A_140, %dma_wait3A_141] : memref<1024x16x512xf32, #tpu.memory_space<hbm>> -> memref<1x16x512xf32, #tpu.memory_space<hbm>>
      %dma_wait3A_143 = tpu.memref_squeeze %dma_wait3A_142 : memref<1x16x512xf32, #tpu.memory_space<hbm>> -> memref<16x512xf32, #tpu.memory_space<hbm>>
      tpu.wait_dma2 semaphore(%arg13 : memref<!tpu.dma_semaphore, #tpu.memory_space<semaphore_mem>>) src(%dma_wait3A_143 : memref<16x512xf32, #tpu.memory_space<hbm>>) dst(%dma_wait3A_139 : memref<16x512xf32, #tpu.memory_space<vmem>>)
      %add3A_144 = arith.addi %mul3A_2, %mul3A_91 : i32
      "tpu.region"() ({
        %run_scoped3A = tpu.sem_alloc : memref<!tpu.dma_semaphore, #tpu.memory_space<semaphore_mem>>
        %dma_start3A_203 = arith.constant 16 : i32
        %dma_start3A_204 = arith.constant 0 : i32
        %dma_start3A_205 = tpu.memref_slice %arg9[%dma_start3A_203, %dma_start3A_204] : memref<80x512xf32, #tpu.memory_space<vmem>> -> memref<1x512xf32, #tpu.memory_space<vmem>>
        %dma_start3A_206 = arith.constant 0 : i32
        %dma_start3A_207 = arith.constant 0 : i32
        %dma_start3A_208 = tpu.memref_slice %arg6[%add3A_144, %dma_start3A_206, %dma_start3A_207] : memref<1024x77x512xf32, #tpu.memory_space<hbm>> -> memref<1x1x512xf32, #tpu.memory_space<hbm>>
        %dma_start3A_209 = tpu.memref_squeeze %dma_start3A_208 : memref<1x1x512xf32, #tpu.memory_space<hbm>> -> memref<1x512xf32, #tpu.memory_space<hbm>>
        %dma_start3A_210 = arith.constant 0 : i32
        %dma_start3A_211 = arith.constant 0 : i32
        %dma_start3A_212 = tpu.memref_slice %arg6[%add3A_144, %dma_start3A_210, %dma_start3A_211] : memref<1024x77x512xf32, #tpu.memory_space<hbm>> -> memref<1x1x512xf32, #tpu.memory_space<hbm>>
        %dma_start3A_213 = tpu.memref_squeeze %dma_start3A_212 : memref<1x1x512xf32, #tpu.memory_space<hbm>> -> memref<1x512xf32, #tpu.memory_space<hbm>>
        %dma_start3A_214 = arith.constant 16 : i32
        %dma_start3A_215 = arith.constant 0 : i32
        %dma_start3A_216 = tpu.memref_slice %arg9[%dma_start3A_214, %dma_start3A_215] : memref<80x512xf32, #tpu.memory_space<vmem>> -> memref<1x512xf32, #tpu.memory_space<vmem>>
        tpu.enqueue_dma source(%dma_start3A_216 : memref<1x512xf32, #tpu.memory_space<vmem>>) target(%dma_start3A_213 : memref<1x512xf32, #tpu.memory_space<hbm>>) target_semaphore(%run_scoped3A : memref<!tpu.dma_semaphore, #tpu.memory_space<semaphore_mem>>)
        %dma_wait3A_217 = arith.constant 16 : i32
        %dma_wait3A_218 = arith.constant 0 : i32
        %dma_wait3A_219 = tpu.memref_slice %arg9[%dma_wait3A_217, %dma_wait3A_218] : memref<80x512xf32, #tpu.memory_space<vmem>> -> memref<1x512xf32, #tpu.memory_space<vmem>>
        %dma_wait3A_220 = arith.constant 0 : i32
        %dma_wait3A_221 = arith.constant 0 : i32
        %dma_wait3A_222 = tpu.memref_slice %arg6[%add3A_144, %dma_wait3A_220, %dma_wait3A_221] : memref<1024x77x512xf32, #tpu.memory_space<hbm>> -> memref<1x1x512xf32, #tpu.memory_space<hbm>>
        %dma_wait3A_223 = tpu.memref_squeeze %dma_wait3A_222 : memref<1x1x512xf32, #tpu.memory_space<hbm>> -> memref<1x512xf32, #tpu.memory_space<hbm>>
        %dma_wait3A_224 = arith.constant 0 : i32
        %dma_wait3A_225 = arith.constant 0 : i32
        %dma_wait3A_226 = tpu.memref_slice %arg6[%add3A_144, %dma_wait3A_224, %dma_wait3A_225] : memref<1024x77x512xf32, #tpu.memory_space<hbm>> -> memref<1x1x512xf32, #tpu.memory_space<hbm>>
        %dma_wait3A_227 = tpu.memref_squeeze %dma_wait3A_226 : memref<1x1x512xf32, #tpu.memory_space<hbm>> -> memref<1x512xf32, #tpu.memory_space<hbm>>
        %dma_wait3A_228 = arith.constant 16 : i32
        %dma_wait3A_229 = arith.constant 0 : i32
        %dma_wait3A_230 = tpu.memref_slice %arg9[%dma_wait3A_228, %dma_wait3A_229] : memref<80x512xf32, #tpu.memory_space<vmem>> -> memref<1x512xf32, #tpu.memory_space<vmem>>
        tpu.wait_dma2 semaphore(%run_scoped3A : memref<!tpu.dma_semaphore, #tpu.memory_space<semaphore_mem>>) src(%dma_wait3A_230 : memref<1x512xf32, #tpu.memory_space<vmem>>) dst(%dma_wait3A_227 : memref<1x512xf32, #tpu.memory_space<hbm>>)
        tpu.yield
      }) : () -> ()
      "tpu.region"() ({
        %run_scoped3A = tpu.sem_alloc : memref<!tpu.dma_semaphore, #tpu.memory_space<semaphore_mem>>
        %dma_start3A_203 = arith.constant 0 : i32
        %dma_start3A_204 = arith.constant 0 : i32
        %dma_start3A_205 = tpu.memref_slice %arg9[%dma_start3A_203, %dma_start3A_204] : memref<80x512xf32, #tpu.memory_space<vmem>> -> memref<16x512xf32, #tpu.memory_space<vmem>>
        %dma_start3A_206 = arith.constant 1 : i32
        %dma_start3A_207 = arith.constant 0 : i32
        %dma_start3A_208 = tpu.memref_slice %arg6[%add3A_144, %dma_start3A_206, %dma_start3A_207] : memref<1024x77x512xf32, #tpu.memory_space<hbm>> -> memref<1x16x512xf32, #tpu.memory_space<hbm>>
        %dma_start3A_209 = tpu.memref_squeeze %dma_start3A_208 : memref<1x16x512xf32, #tpu.memory_space<hbm>> -> memref<16x512xf32, #tpu.memory_space<hbm>>
        %dma_start3A_210 = arith.constant 1 : i32
        %dma_start3A_211 = arith.constant 0 : i32
        %dma_start3A_212 = tpu.memref_slice %arg6[%add3A_144, %dma_start3A_210, %dma_start3A_211] : memref<1024x77x512xf32, #tpu.memory_space<hbm>> -> memref<1x16x512xf32, #tpu.memory_space<hbm>>
        %dma_start3A_213 = tpu.memref_squeeze %dma_start3A_212 : memref<1x16x512xf32, #tpu.memory_space<hbm>> -> memref<16x512xf32, #tpu.memory_space<hbm>>
        %dma_start3A_214 = arith.constant 0 : i32
        %dma_start3A_215 = arith.constant 0 : i32
        %dma_start3A_216 = tpu.memref_slice %arg9[%dma_start3A_214, %dma_start3A_215] : memref<80x512xf32, #tpu.memory_space<vmem>> -> memref<16x512xf32, #tpu.memory_space<vmem>>
        tpu.enqueue_dma source(%dma_start3A_216 : memref<16x512xf32, #tpu.memory_space<vmem>>) target(%dma_start3A_213 : memref<16x512xf32, #tpu.memory_space<hbm>>) target_semaphore(%run_scoped3A : memref<!tpu.dma_semaphore, #tpu.memory_space<semaphore_mem>>)
        %dma_wait3A_217 = arith.constant 0 : i32
        %dma_wait3A_218 = arith.constant 0 : i32
        %dma_wait3A_219 = tpu.memref_slice %arg9[%dma_wait3A_217, %dma_wait3A_218] : memref<80x512xf32, #tpu.memory_space<vmem>> -> memref<16x512xf32, #tpu.memory_space<vmem>>
        %dma_wait3A_220 = arith.constant 1 : i32
        %dma_wait3A_221 = arith.constant 0 : i32
        %dma_wait3A_222 = tpu.memref_slice %arg6[%add3A_144, %dma_wait3A_220, %dma_wait3A_221] : memref<1024x77x512xf32, #tpu.memory_space<hbm>> -> memref<1x16x512xf32, #tpu.memory_space<hbm>>
        %dma_wait3A_223 = tpu.memref_squeeze %dma_wait3A_222 : memref<1x16x512xf32, #tpu.memory_space<hbm>> -> memref<16x512xf32, #tpu.memory_space<hbm>>
        %dma_wait3A_224 = arith.constant 1 : i32
        %dma_wait3A_225 = arith.constant 0 : i32
        %dma_wait3A_226 = tpu.memref_slice %arg6[%add3A_144, %dma_wait3A_224, %dma_wait3A_225] : memref<1024x77x512xf32, #tpu.memory_space<hbm>> -> memref<1x16x512xf32, #tpu.memory_space<hbm>>
        %dma_wait3A_227 = tpu.memref_squeeze %dma_wait3A_226 : memref<1x16x512xf32, #tpu.memory_space<hbm>> -> memref<16x512xf32, #tpu.memory_space<hbm>>
        %dma_wait3A_228 = arith.constant 0 : i32
        %dma_wait3A_229 = arith.constant 0 : i32
        %dma_wait3A_230 = tpu.memref_slice %arg9[%dma_wait3A_228, %dma_wait3A_229] : memref<80x512xf32, #tpu.memory_space<vmem>> -> memref<16x512xf32, #tpu.memory_space<vmem>>
        tpu.wait_dma2 semaphore(%run_scoped3A : memref<!tpu.dma_semaphore, #tpu.memory_space<semaphore_mem>>) src(%dma_wait3A_230 : memref<16x512xf32, #tpu.memory_space<vmem>>) dst(%dma_wait3A_227 : memref<16x512xf32, #tpu.memory_space<hbm>>)
        tpu.yield
      }) : () -> ()
      "tpu.region"() ({
        %run_scoped3A = tpu.sem_alloc : memref<!tpu.dma_semaphore, #tpu.memory_space<semaphore_mem>>
        %dma_start3A_203 = arith.constant 17 : i32
        %dma_start3A_204 = arith.constant 0 : i32
        %dma_start3A_205 = tpu.memref_slice %arg9[%dma_start3A_203, %dma_start3A_204] : memref<80x512xf32, #tpu.memory_space<vmem>> -> memref<60x512xf32, #tpu.memory_space<vmem>>
        %dma_start3A_206 = arith.constant 17 : i32
        %dma_start3A_207 = arith.constant 0 : i32
        %dma_start3A_208 = tpu.memref_slice %arg6[%add3A_144, %dma_start3A_206, %dma_start3A_207] : memref<1024x77x512xf32, #tpu.memory_space<hbm>> -> memref<1x60x512xf32, #tpu.memory_space<hbm>>
        %dma_start3A_209 = tpu.memref_squeeze %dma_start3A_208 : memref<1x60x512xf32, #tpu.memory_space<hbm>> -> memref<60x512xf32, #tpu.memory_space<hbm>>
        %dma_start3A_210 = arith.constant 17 : i32
        %dma_start3A_211 = arith.constant 0 : i32
        %dma_start3A_212 = tpu.memref_slice %arg6[%add3A_144, %dma_start3A_210, %dma_start3A_211] : memref<1024x77x512xf32, #tpu.memory_space<hbm>> -> memref<1x60x512xf32, #tpu.memory_space<hbm>>
        %dma_start3A_213 = tpu.memref_squeeze %dma_start3A_212 : memref<1x60x512xf32, #tpu.memory_space<hbm>> -> memref<60x512xf32, #tpu.memory_space<hbm>>
        %dma_start3A_214 = arith.constant 17 : i32
        %dma_start3A_215 = arith.constant 0 : i32
        %dma_start3A_216 = tpu.memref_slice %arg9[%dma_start3A_214, %dma_start3A_215] : memref<80x512xf32, #tpu.memory_space<vmem>> -> memref<60x512xf32, #tpu.memory_space<vmem>>
        tpu.enqueue_dma source(%dma_start3A_216 : memref<60x512xf32, #tpu.memory_space<vmem>>) target(%dma_start3A_213 : memref<60x512xf32, #tpu.memory_space<hbm>>) target_semaphore(%run_scoped3A : memref<!tpu.dma_semaphore, #tpu.memory_space<semaphore_mem>>)
        %dma_wait3A_217 = arith.constant 17 : i32
        %dma_wait3A_218 = arith.constant 0 : i32
        %dma_wait3A_219 = tpu.memref_slice %arg9[%dma_wait3A_217, %dma_wait3A_218] : memref<80x512xf32, #tpu.memory_space<vmem>> -> memref<60x512xf32, #tpu.memory_space<vmem>>
        %dma_wait3A_220 = arith.constant 17 : i32
        %dma_wait3A_221 = arith.constant 0 : i32
        %dma_wait3A_222 = tpu.memref_slice %arg6[%add3A_144, %dma_wait3A_220, %dma_wait3A_221] : memref<1024x77x512xf32, #tpu.memory_space<hbm>> -> memref<1x60x512xf32, #tpu.memory_space<hbm>>
        %dma_wait3A_223 = tpu.memref_squeeze %dma_wait3A_222 : memref<1x60x512xf32, #tpu.memory_space<hbm>> -> memref<60x512xf32, #tpu.memory_space<hbm>>
        %dma_wait3A_224 = arith.constant 17 : i32
        %dma_wait3A_225 = arith.constant 0 : i32
        %dma_wait3A_226 = tpu.memref_slice %arg6[%add3A_144, %dma_wait3A_224, %dma_wait3A_225] : memref<1024x77x512xf32, #tpu.memory_space<hbm>> -> memref<1x60x512xf32, #tpu.memory_space<hbm>>
        %dma_wait3A_227 = tpu.memref_squeeze %dma_wait3A_226 : memref<1x60x512xf32, #tpu.memory_space<hbm>> -> memref<60x512xf32, #tpu.memory_space<hbm>>
        %dma_wait3A_228 = arith.constant 17 : i32
        %dma_wait3A_229 = arith.constant 0 : i32
        %dma_wait3A_230 = tpu.memref_slice %arg9[%dma_wait3A_228, %dma_wait3A_229] : memref<80x512xf32, #tpu.memory_space<vmem>> -> memref<60x512xf32, #tpu.memory_space<vmem>>
        tpu.wait_dma2 semaphore(%run_scoped3A : memref<!tpu.dma_semaphore, #tpu.memory_space<semaphore_mem>>) src(%dma_wait3A_230 : memref<60x512xf32, #tpu.memory_space<vmem>>) dst(%dma_wait3A_227 : memref<60x512xf32, #tpu.memory_space<hbm>>)
        tpu.yield
      }) : () -> ()
      %add3A_145 = arith.constant 2 : i32
      %add3A_146 = arith.addi %mul3A_91, %add3A_145 : i32
      %min3A = arith.constant 31 : i32
      %min3A_147 = arith.minsi %add3A_146, %min3A : i32
      %add3A_148 = arith.addi %mul3A_2, %min3A_147 : i32
      %dma_start3A_149 = arith.constant 16 : i32
      %dma_start3A_150 = arith.constant 0 : i32
      %dma_start3A_151 = tpu.memref_slice %arg9[%dma_start3A_149, %dma_start3A_150] : memref<80x512xf32, #tpu.memory_space<vmem>> -> memref<64x512xf32, #tpu.memory_space<vmem>>
      %dma_start3A_152 = arith.constant 0 : i32
      %dma_start3A_153 = tpu.memref_slice %arg8[%min3A_147, %dma_start3A_152] : memref<32x64xi32, #tpu.memory_space<vmem>> -> memref<1x64xi32, #tpu.memory_space<vmem>>
      %dma_start3A_154 = tpu.memref_squeeze %dma_start3A_153 : memref<1x64xi32, #tpu.memory_space<vmem>> -> memref<64xi32, #tpu.memory_space<vmem>>
      %dma_start3A_155 = arith.constant 0 : i32
      %dma_start3A_156 = arith.constant 0 : i32
      %dma_start3A_157 = tpu.memref_slice %arg5[%dma_start3A_155, %dma_start3A_156] : memref<49408x512xf32, #tpu.memory_space<hbm>> -> memref<49408x512xf32, #tpu.memory_space<hbm>>
      tpu.enqueue_indirect_dma source(%dma_start3A_157 : memref<49408x512xf32, #tpu.memory_space<hbm>>) target(%dma_start3A_151 : memref<64x512xf32, #tpu.memory_space<vmem>>) offsets(%dma_start3A_154 : memref<64xi32, #tpu.memory_space<vmem>>) semaphore(%arg13 : memref<!tpu.dma_semaphore, #tpu.memory_space<semaphore_mem>>)
      %dma_start3A_158 = arith.constant 0 : i32
      %dma_start3A_159 = arith.constant 0 : i32
      %dma_start3A_160 = tpu.memref_slice %arg9[%dma_start3A_158, %dma_start3A_159] : memref<80x512xf32, #tpu.memory_space<vmem>> -> memref<16x512xf32, #tpu.memory_space<vmem>>
      %dma_start3A_161 = arith.constant 0 : i32
      %dma_start3A_162 = arith.constant 0 : i32
      %dma_start3A_163 = tpu.memref_slice %arg4[%add3A_148, %dma_start3A_161, %dma_start3A_162] : memref<1024x16x512xf32, #tpu.memory_space<hbm>> -> memref<1x16x512xf32, #tpu.memory_space<hbm>>
      %dma_start3A_164 = tpu.memref_squeeze %dma_start3A_163 : memref<1x16x512xf32, #tpu.memory_space<hbm>> -> memref<16x512xf32, #tpu.memory_space<hbm>>
      %dma_start3A_165 = arith.constant 0 : i32
      %dma_start3A_166 = arith.constant 0 : i32
      %dma_start3A_167 = tpu.memref_slice %arg9[%dma_start3A_165, %dma_start3A_166] : memref<80x512xf32, #tpu.memory_space<vmem>> -> memref<16x512xf32, #tpu.memory_space<vmem>>
      %dma_start3A_168 = arith.constant 0 : i32
      %dma_start3A_169 = arith.constant 0 : i32
      %dma_start3A_170 = tpu.memref_slice %arg4[%add3A_148, %dma_start3A_168, %dma_start3A_169] : memref<1024x16x512xf32, #tpu.memory_space<hbm>> -> memref<1x16x512xf32, #tpu.memory_space<hbm>>
      %dma_start3A_171 = tpu.memref_squeeze %dma_start3A_170 : memref<1x16x512xf32, #tpu.memory_space<hbm>> -> memref<16x512xf32, #tpu.memory_space<hbm>>
      tpu.enqueue_dma source(%dma_start3A_171 : memref<16x512xf32, #tpu.memory_space<hbm>>) target(%dma_start3A_167 : memref<16x512xf32, #tpu.memory_space<vmem>>) target_semaphore(%arg13 : memref<!tpu.dma_semaphore, #tpu.memory_space<semaphore_mem>>)
      %add3A_172 = arith.addi %mul3A_2, %mul3A_91 : i32
      %add3A_173 = arith.constant 1 : i32
      %add3A_174 = arith.addi %add3A_172, %add3A_173 : i32
      %add3A_175 = arith.constant 1 : i32
      %add3A_176 = arith.addi %mul3A_91, %add3A_175 : i32
      %dma_wait3A_177 = arith.constant 16 : i32
      %dma_wait3A_178 = arith.constant 0 : i32
      %dma_wait3A_179 = tpu.memref_slice %arg10[%dma_wait3A_177, %dma_wait3A_178] : memref<80x512xf32, #tpu.memory_space<vmem>> -> memref<64x512xf32, #tpu.memory_space<vmem>>
      %dma_wait3A_180 = arith.constant 0 : i32
      %dma_wait3A_181 = tpu.memref_slice %arg8[%add3A_176, %dma_wait3A_180] : memref<32x64xi32, #tpu.memory_space<vmem>> -> memref<1x64xi32, #tpu.memory_space<vmem>>
      %dma_wait3A_182 = tpu.memref_squeeze %dma_wait3A_181 : memref<1x64xi32, #tpu.memory_space<vmem>> -> memref<64xi32, #tpu.memory_space<vmem>>
      %dma_wait3A_183 = arith.constant 0 : i32
      %dma_wait3A_184 = arith.constant 0 : i32
      %dma_wait3A_185 = tpu.memref_slice %arg5[%dma_wait3A_183, %dma_wait3A_184] : memref<49408x512xf32, #tpu.memory_space<hbm>> -> memref<49408x512xf32, #tpu.memory_space<hbm>>
      tpu.wait_indirect_dma semaphore(%arg14 : memref<!tpu.dma_semaphore, #tpu.memory_space<semaphore_mem>>) src(%dma_wait3A_185 : memref<49408x512xf32, #tpu.memory_space<hbm>>) dst(%dma_wait3A_179 : memref<64x512xf32, #tpu.memory_space<vmem>>)
      %dma_wait3A_186 = arith.constant 0 : i32
      %dma_wait3A_187 = arith.constant 0 : i32
      %dma_wait3A_188 = tpu.memref_slice %arg10[%dma_wait3A_186, %dma_wait3A_187] : memref<80x512xf32, #tpu.memory_space<vmem>> -> memref<16x512xf32, #tpu.memory_space<vmem>>
      %dma_wait3A_189 = arith.constant 0 : i32
      %dma_wait3A_190 = arith.constant 0 : i32
      %dma_wait3A_191 = tpu.memref_slice %arg4[%add3A_174, %dma_wait3A_189, %dma_wait3A_190] : memref<1024x16x512xf32, #tpu.memory_space<hbm>> -> memref<1x16x512xf32, #tpu.memory_space<hbm>>
      %dma_wait3A_192 = tpu.memref_squeeze %dma_wait3A_191 : memref<1x16x512xf32, #tpu.memory_space<hbm>> -> memref<16x512xf32, #tpu.memory_space<hbm>>
      %dma_wait3A_193 = arith.constant 0 : i32
      %dma_wait3A_194 = arith.constant 0 : i32
      %dma_wait3A_195 = tpu.memref_slice %arg10[%dma_wait3A_193, %dma_wait3A_194] : memref<80x512xf32, #tpu.memory_space<vmem>> -> memref<16x512xf32, #tpu.memory_space<vmem>>
      %dma_wait3A_196 = arith.constant 0 : i32
      %dma_wait3A_197 = arith.constant 0 : i32
      %dma_wait3A_198 = tpu.memref_slice %arg4[%add3A_174, %dma_wait3A_196, %dma_wait3A_197] : memref<1024x16x512xf32, #tpu.memory_space<hbm>> -> memref<1x16x512xf32, #tpu.memory_space<hbm>>
      %dma_wait3A_199 = tpu.memref_squeeze %dma_wait3A_198 : memref<1x16x512xf32, #tpu.memory_space<hbm>> -> memref<16x512xf32, #tpu.memory_space<hbm>>
      tpu.wait_dma2 semaphore(%arg14 : memref<!tpu.dma_semaphore, #tpu.memory_space<semaphore_mem>>) src(%dma_wait3A_199 : memref<16x512xf32, #tpu.memory_space<hbm>>) dst(%dma_wait3A_195 : memref<16x512xf32, #tpu.memory_space<vmem>>)
      %add3A_200 = arith.addi %mul3A_2, %mul3A_91 : i32
      %add3A_201 = arith.constant 1 : i32
      %add3A_202 = arith.addi %add3A_200, %add3A_201 : i32
      "tpu.region"() ({
        %run_scoped3A = tpu.sem_alloc : memref<!tpu.dma_semaphore, #tpu.memory_space<semaphore_mem>>
        %dma_start3A_203 = arith.constant 16 : i32
        %dma_start3A_204 = arith.constant 0 : i32
        %dma_start3A_205 = tpu.memref_slice %arg10[%dma_start3A_203, %dma_start3A_204] : memref<80x512xf32, #tpu.memory_space<vmem>> -> memref<1x512xf32, #tpu.memory_space<vmem>>
        %dma_start3A_206 = arith.constant 0 : i32
        %dma_start3A_207 = arith.constant 0 : i32
        %dma_start3A_208 = tpu.memref_slice %arg6[%add3A_202, %dma_start3A_206, %dma_start3A_207] : memref<1024x77x512xf32, #tpu.memory_space<hbm>> -> memref<1x1x512xf32, #tpu.memory_space<hbm>>
        %dma_start3A_209 = tpu.memref_squeeze %dma_start3A_208 : memref<1x1x512xf32, #tpu.memory_space<hbm>> -> memref<1x512xf32, #tpu.memory_space<hbm>>
        %dma_start3A_210 = arith.constant 0 : i32
        %dma_start3A_211 = arith.constant 0 : i32
        %dma_start3A_212 = tpu.memref_slice %arg6[%add3A_202, %dma_start3A_210, %dma_start3A_211] : memref<1024x77x512xf32, #tpu.memory_space<hbm>> -> memref<1x1x512xf32, #tpu.memory_space<hbm>>
        %dma_start3A_213 = tpu.memref_squeeze %dma_start3A_212 : memref<1x1x512xf32, #tpu.memory_space<hbm>> -> memref<1x512xf32, #tpu.memory_space<hbm>>
        %dma_start3A_214 = arith.constant 16 : i32
        %dma_start3A_215 = arith.constant 0 : i32
        %dma_start3A_216 = tpu.memref_slice %arg10[%dma_start3A_214, %dma_start3A_215] : memref<80x512xf32, #tpu.memory_space<vmem>> -> memref<1x512xf32, #tpu.memory_space<vmem>>
        tpu.enqueue_dma source(%dma_start3A_216 : memref<1x512xf32, #tpu.memory_space<vmem>>) target(%dma_start3A_213 : memref<1x512xf32, #tpu.memory_space<hbm>>) target_semaphore(%run_scoped3A : memref<!tpu.dma_semaphore, #tpu.memory_space<semaphore_mem>>)
        %dma_wait3A_217 = arith.constant 16 : i32
        %dma_wait3A_218 = arith.constant 0 : i32
        %dma_wait3A_219 = tpu.memref_slice %arg10[%dma_wait3A_217, %dma_wait3A_218] : memref<80x512xf32, #tpu.memory_space<vmem>> -> memref<1x512xf32, #tpu.memory_space<vmem>>
        %dma_wait3A_220 = arith.constant 0 : i32
        %dma_wait3A_221 = arith.constant 0 : i32
        %dma_wait3A_222 = tpu.memref_slice %arg6[%add3A_202, %dma_wait3A_220, %dma_wait3A_221] : memref<1024x77x512xf32, #tpu.memory_space<hbm>> -> memref<1x1x512xf32, #tpu.memory_space<hbm>>
        %dma_wait3A_223 = tpu.memref_squeeze %dma_wait3A_222 : memref<1x1x512xf32, #tpu.memory_space<hbm>> -> memref<1x512xf32, #tpu.memory_space<hbm>>
        %dma_wait3A_224 = arith.constant 0 : i32
        %dma_wait3A_225 = arith.constant 0 : i32
        %dma_wait3A_226 = tpu.memref_slice %arg6[%add3A_202, %dma_wait3A_224, %dma_wait3A_225] : memref<1024x77x512xf32, #tpu.memory_space<hbm>> -> memref<1x1x512xf32, #tpu.memory_space<hbm>>
        %dma_wait3A_227 = tpu.memref_squeeze %dma_wait3A_226 : memref<1x1x512xf32, #tpu.memory_space<hbm>> -> memref<1x512xf32, #tpu.memory_space<hbm>>
        %dma_wait3A_228 = arith.constant 16 : i32
        %dma_wait3A_229 = arith.constant 0 : i32
        %dma_wait3A_230 = tpu.memref_slice %arg10[%dma_wait3A_228, %dma_wait3A_229] : memref<80x512xf32, #tpu.memory_space<vmem>> -> memref<1x512xf32, #tpu.memory_space<vmem>>
        tpu.wait_dma2 semaphore(%run_scoped3A : memref<!tpu.dma_semaphore, #tpu.memory_space<semaphore_mem>>) src(%dma_wait3A_230 : memref<1x512xf32, #tpu.memory_space<vmem>>) dst(%dma_wait3A_227 : memref<1x512xf32, #tpu.memory_space<hbm>>)
        tpu.yield
      }) : () -> ()
      "tpu.region"() ({
        %run_scoped3A = tpu.sem_alloc : memref<!tpu.dma_semaphore, #tpu.memory_space<semaphore_mem>>
        %dma_start3A_203 = arith.constant 0 : i32
        %dma_start3A_204 = arith.constant 0 : i32
        %dma_start3A_205 = tpu.memref_slice %arg10[%dma_start3A_203, %dma_start3A_204] : memref<80x512xf32, #tpu.memory_space<vmem>> -> memref<16x512xf32, #tpu.memory_space<vmem>>
        %dma_start3A_206 = arith.constant 1 : i32
        %dma_start3A_207 = arith.constant 0 : i32
        %dma_start3A_208 = tpu.memref_slice %arg6[%add3A_202, %dma_start3A_206, %dma_start3A_207] : memref<1024x77x512xf32, #tpu.memory_space<hbm>> -> memref<1x16x512xf32, #tpu.memory_space<hbm>>
        %dma_start3A_209 = tpu.memref_squeeze %dma_start3A_208 : memref<1x16x512xf32, #tpu.memory_space<hbm>> -> memref<16x512xf32, #tpu.memory_space<hbm>>
        %dma_start3A_210 = arith.constant 1 : i32
        %dma_start3A_211 = arith.constant 0 : i32
        %dma_start3A_212 = tpu.memref_slice %arg6[%add3A_202, %dma_start3A_210, %dma_start3A_211] : memref<1024x77x512xf32, #tpu.memory_space<hbm>> -> memref<1x16x512xf32, #tpu.memory_space<hbm>>
        %dma_start3A_213 = tpu.memref_squeeze %dma_start3A_212 : memref<1x16x512xf32, #tpu.memory_space<hbm>> -> memref<16x512xf32, #tpu.memory_space<hbm>>
        %dma_start3A_214 = arith.constant 0 : i32
        %dma_start3A_215 = arith.constant 0 : i32
        %dma_start3A_216 = tpu.memref_slice %arg10[%dma_start3A_214, %dma_start3A_215] : memref<80x512xf32, #tpu.memory_space<vmem>> -> memref<16x512xf32, #tpu.memory_space<vmem>>
        tpu.enqueue_dma source(%dma_start3A_216 : memref<16x512xf32, #tpu.memory_space<vmem>>) target(%dma_start3A_213 : memref<16x512xf32, #tpu.memory_space<hbm>>) target_semaphore(%run_scoped3A : memref<!tpu.dma_semaphore, #tpu.memory_space<semaphore_mem>>)
        %dma_wait3A_217 = arith.constant 0 : i32
        %dma_wait3A_218 = arith.constant 0 : i32
        %dma_wait3A_219 = tpu.memref_slice %arg10[%dma_wait3A_217, %dma_wait3A_218] : memref<80x512xf32, #tpu.memory_space<vmem>> -> memref<16x512xf32, #tpu.memory_space<vmem>>
        %dma_wait3A_220 = arith.constant 1 : i32
        %dma_wait3A_221 = arith.constant 0 : i32
        %dma_wait3A_222 = tpu.memref_slice %arg6[%add3A_202, %dma_wait3A_220, %dma_wait3A_221] : memref<1024x77x512xf32, #tpu.memory_space<hbm>> -> memref<1x16x512xf32, #tpu.memory_space<hbm>>
        %dma_wait3A_223 = tpu.memref_squeeze %dma_wait3A_222 : memref<1x16x512xf32, #tpu.memory_space<hbm>> -> memref<16x512xf32, #tpu.memory_space<hbm>>
        %dma_wait3A_224 = arith.constant 1 : i32
        %dma_wait3A_225 = arith.constant 0 : i32
        %dma_wait3A_226 = tpu.memref_slice %arg6[%add3A_202, %dma_wait3A_224, %dma_wait3A_225] : memref<1024x77x512xf32, #tpu.memory_space<hbm>> -> memref<1x16x512xf32, #tpu.memory_space<hbm>>
        %dma_wait3A_227 = tpu.memref_squeeze %dma_wait3A_226 : memref<1x16x512xf32, #tpu.memory_space<hbm>> -> memref<16x512xf32, #tpu.memory_space<hbm>>
        %dma_wait3A_228 = arith.constant 0 : i32
        %dma_wait3A_229 = arith.constant 0 : i32
        %dma_wait3A_230 = tpu.memref_slice %arg10[%dma_wait3A_228, %dma_wait3A_229] : memref<80x512xf32, #tpu.memory_space<vmem>> -> memref<16x512xf32, #tpu.memory_space<vmem>>
        tpu.wait_dma2 semaphore(%run_scoped3A : memref<!tpu.dma_semaphore, #tpu.memory_space<semaphore_mem>>) src(%dma_wait3A_230 : memref<16x512xf32, #tpu.memory_space<vmem>>) dst(%dma_wait3A_227 : memref<16x512xf32, #tpu.memory_space<hbm>>)
        tpu.yield
      }) : () -> ()
      "tpu.region"() ({
        %run_scoped3A = tpu.sem_alloc : memref<!tpu.dma_semaphore, #tpu.memory_space<semaphore_mem>>
        %dma_start3A_203 = arith.constant 17 : i32
        %dma_start3A_204 = arith.constant 0 : i32
        %dma_start3A_205 = tpu.memref_slice %arg10[%dma_start3A_203, %dma_start3A_204] : memref<80x512xf32, #tpu.memory_space<vmem>> -> memref<60x512xf32, #tpu.memory_space<vmem>>
        %dma_start3A_206 = arith.constant 17 : i32
        %dma_start3A_207 = arith.constant 0 : i32
        %dma_start3A_208 = tpu.memref_slice %arg6[%add3A_202, %dma_start3A_206, %dma_start3A_207] : memref<1024x77x512xf32, #tpu.memory_space<hbm>> -> memref<1x60x512xf32, #tpu.memory_space<hbm>>
        %dma_start3A_209 = tpu.memref_squeeze %dma_start3A_208 : memref<1x60x512xf32, #tpu.memory_space<hbm>> -> memref<60x512xf32, #tpu.memory_space<hbm>>
        %dma_start3A_210 = arith.constant 17 : i32
        %dma_start3A_211 = arith.constant 0 : i32
        %dma_start3A_212 = tpu.memref_slice %arg6[%add3A_202, %dma_start3A_210, %dma_start3A_211] : memref<1024x77x512xf32, #tpu.memory_space<hbm>> -> memref<1x60x512xf32, #tpu.memory_space<hbm>>
        %dma_start3A_213 = tpu.memref_squeeze %dma_start3A_212 : memref<1x60x512xf32, #tpu.memory_space<hbm>> -> memref<60x512xf32, #tpu.memory_space<hbm>>
        %dma_start3A_214 = arith.constant 17 : i32
        %dma_start3A_215 = arith.constant 0 : i32
        %dma_start3A_216 = tpu.memref_slice %arg10[%dma_start3A_214, %dma_start3A_215] : memref<80x512xf32, #tpu.memory_space<vmem>> -> memref<60x512xf32, #tpu.memory_space<vmem>>
        tpu.enqueue_dma source(%dma_start3A_216 : memref<60x512xf32, #tpu.memory_space<vmem>>) target(%dma_start3A_213 : memref<60x512xf32, #tpu.memory_space<hbm>>) target_semaphore(%run_scoped3A : memref<!tpu.dma_semaphore, #tpu.memory_space<semaphore_mem>>)
        %dma_wait3A_217 = arith.constant 17 : i32
        %dma_wait3A_218 = arith.constant 0 : i32
        %dma_wait3A_219 = tpu.memref_slice %arg10[%dma_wait3A_217, %dma_wait3A_218] : memref<80x512xf32, #tpu.memory_space<vmem>> -> memref<60x512xf32, #tpu.memory_space<vmem>>
        %dma_wait3A_220 = arith.constant 17 : i32
        %dma_wait3A_221 = arith.constant 0 : i32
        %dma_wait3A_222 = tpu.memref_slice %arg6[%add3A_202, %dma_wait3A_220, %dma_wait3A_221] : memref<1024x77x512xf32, #tpu.memory_space<hbm>> -> memref<1x60x512xf32, #tpu.memory_space<hbm>>
        %dma_wait3A_223 = tpu.memref_squeeze %dma_wait3A_222 : memref<1x60x512xf32, #tpu.memory_space<hbm>> -> memref<60x512xf32, #tpu.memory_space<hbm>>
        %dma_wait3A_224 = arith.constant 17 : i32
        %dma_wait3A_225 = arith.constant 0 : i32
        %dma_wait3A_226 = tpu.memref_slice %arg6[%add3A_202, %dma_wait3A_224, %dma_wait3A_225] : memref<1024x77x512xf32, #tpu.memory_space<hbm>> -> memref<1x60x512xf32, #tpu.memory_space<hbm>>
        %dma_wait3A_227 = tpu.memref_squeeze %dma_wait3A_226 : memref<1x60x512xf32, #tpu.memory_space<hbm>> -> memref<60x512xf32, #tpu.memory_space<hbm>>
        %dma_wait3A_228 = arith.constant 17 : i32
        %dma_wait3A_229 = arith.constant 0 : i32
        %dma_wait3A_230 = tpu.memref_slice %arg10[%dma_wait3A_228, %dma_wait3A_229] : memref<80x512xf32, #tpu.memory_space<vmem>> -> memref<60x512xf32, #tpu.memory_space<vmem>>
        tpu.wait_dma2 semaphore(%run_scoped3A : memref<!tpu.dma_semaphore, #tpu.memory_space<semaphore_mem>>) src(%dma_wait3A_230 : memref<60x512xf32, #tpu.memory_space<vmem>>) dst(%dma_wait3A_227 : memref<60x512xf32, #tpu.memory_space<hbm>>)
        tpu.yield
      }) : () -> ()
    }
    %scan3A_62 = arith.constant 16 : i32
    %add3A_63 = arith.constant 32 : i32
    %add3A_64 = arith.addi %mul3A_2, %add3A_63 : i32
    %sub3A = arith.constant 1 : i32
    %sub3A_65 = arith.subi %add3A_64, %sub3A : i32
    %dma_wait3A = arith.constant 31 : i32
    %dma_wait3A_66 = arith.constant 16 : i32
    %dma_wait3A_67 = arith.constant 0 : i32
    %dma_wait3A_68 = tpu.memref_slice %arg9[%dma_wait3A_66, %dma_wait3A_67] : memref<80x512xf32, #tpu.memory_space<vmem>> -> memref<64x512xf32, #tpu.memory_space<vmem>>
    %dma_wait3A_69 = arith.constant 0 : i32
    %dma_wait3A_70 = tpu.memref_slice %arg8[%dma_wait3A, %dma_wait3A_69] : memref<32x64xi32, #tpu.memory_space<vmem>> -> memref<1x64xi32, #tpu.memory_space<vmem>>
    %dma_wait3A_71 = tpu.memref_squeeze %dma_wait3A_70 : memref<1x64xi32, #tpu.memory_space<vmem>> -> memref<64xi32, #tpu.memory_space<vmem>>
    %dma_wait3A_72 = arith.constant 0 : i32
    %dma_wait3A_73 = arith.constant 0 : i32
    %dma_wait3A_74 = tpu.memref_slice %arg5[%dma_wait3A_72, %dma_wait3A_73] : memref<49408x512xf32, #tpu.memory_space<hbm>> -> memref<49408x512xf32, #tpu.memory_space<hbm>>
    tpu.wait_indirect_dma semaphore(%arg13 : memref<!tpu.dma_semaphore, #tpu.memory_space<semaphore_mem>>) src(%dma_wait3A_74 : memref<49408x512xf32, #tpu.memory_space<hbm>>) dst(%dma_wait3A_68 : memref<64x512xf32, #tpu.memory_space<vmem>>)
    %dma_wait3A_75 = arith.constant 0 : i32
    %dma_wait3A_76 = arith.constant 0 : i32
    %dma_wait3A_77 = tpu.memref_slice %arg9[%dma_wait3A_75, %dma_wait3A_76] : memref<80x512xf32, #tpu.memory_space<vmem>> -> memref<16x512xf32, #tpu.memory_space<vmem>>
    %dma_wait3A_78 = arith.constant 0 : i32
    %dma_wait3A_79 = arith.constant 0 : i32
    %dma_wait3A_80 = tpu.memref_slice %arg4[%sub3A_65, %dma_wait3A_78, %dma_wait3A_79] : memref<1024x16x512xf32, #tpu.memory_space<hbm>> -> memref<1x16x512xf32, #tpu.memory_space<hbm>>
    %dma_wait3A_81 = tpu.memref_squeeze %dma_wait3A_80 : memref<1x16x512xf32, #tpu.memory_space<hbm>> -> memref<16x512xf32, #tpu.memory_space<hbm>>
    %dma_wait3A_82 = arith.constant 0 : i32
    %dma_wait3A_83 = arith.constant 0 : i32
    %dma_wait3A_84 = tpu.memref_slice %arg9[%dma_wait3A_82, %dma_wait3A_83] : memref<80x512xf32, #tpu.memory_space<vmem>> -> memref<16x512xf32, #tpu.memory_space<vmem>>
    %dma_wait3A_85 = arith.constant 0 : i32
    %dma_wait3A_86 = arith.constant 0 : i32
    %dma_wait3A_87 = tpu.memref_slice %arg4[%sub3A_65, %dma_wait3A_85, %dma_wait3A_86] : memref<1024x16x512xf32, #tpu.memory_space<hbm>> -> memref<1x16x512xf32, #tpu.memory_space<hbm>>
    %dma_wait3A_88 = tpu.memref_squeeze %dma_wait3A_87 : memref<1x16x512xf32, #tpu.memory_space<hbm>> -> memref<16x512xf32, #tpu.memory_space<hbm>>
    tpu.wait_dma2 semaphore(%arg13 : memref<!tpu.dma_semaphore, #tpu.memory_space<semaphore_mem>>) src(%dma_wait3A_88 : memref<16x512xf32, #tpu.memory_space<hbm>>) dst(%dma_wait3A_84 : memref<16x512xf32, #tpu.memory_space<vmem>>)
    return
  }
}

</mosaic_0001>

<sc_bundles>
// kernel: kernel.3.cloned.1.call-start
scs
__scs_entry_jumppad:
0x0: {  	(pc) =	sbr.rel $0x88, $3  }
0x1: {  	(tag) =	ssettag $0x0;
	lr =	simm.s32 $0x1  }
0x2: {  	[smem:$0x3F9E] =	sst lr;
	_ =	strace $0xD0000000  }
0x3: {  	_ = 	snop  }
0x4: {  	_ = 	snop  }
0x5: {  	_ = 	snop  }
0x6: {  	_ = 	snop  }
0x7: {  	_ = 	snop  }
__scs_overlays_trampoline_lowered:
0x8: {  	[smem:$0x3FAD] =	sst s0  }
0x9: {  	[smem:$0x3FAE] =	sst s1  }
0xa: {  	[smem:$0x3FAF] =	sst s2  }
0xb: {  	[smem:$0x3FB0] =	sst s3  }
0xc: {  	[smem:$0x3FB1] =	sst s4  }
0xd: {  	[smem:$0x3FB2] =	sst s5  }
0xe: {  	[smem:$0x3FB3] =	sst s6  }
0xf: {  	[smem:$0x3FB4] =	sst s7  }
0x10: {  	[smem:$0x3FB5] =	sst s8  }
0x11: {  	[smem:$0x3FB6] =	sst s9;
	s0 =	simm.s32 @!p0 $0x0  }
0x12: {  	s1 =	sld [smem:$0x3F9C];
	s0 =	simm.s32 @p0 $0x1  }
0x13: {  	[smem:$0x3FB7] =	sst s0;
	s0 =	simm.s32 @!p1 $0x0  }
0x14: {  	s2 =	sld [smem:$0x3F9B];
	s0 =	simm.s32 @p1 $0x1  }
0x15: {  	[smem:$0x3FB8] =	sst s0;
	s0 =	simm.s32 @!p2 $0x0  }
0x16: {  	s3 =	sld [smem:$0x3FDB];
	s0 =	simm.s32 @p2 $0x1  }
0x17: {  	s4 =	simm.s32 $0x1BF5;
	[smem:$0x3FBA] =	sst s0  }
0x18: {  	s0 =	sld [smem:$0x3F9D];
	_ =	swait.ge [sflag:s4], $0x0  }
0x19: {  	s7 =	sld [smem:$0x3F9E]  }
0x1a: {  	s8 =	sadd.s32 $0xFFFFE003, lr  }
0x1b: {  	s9 =	sadd.s32 $0xFFFFFEF7, lr;
	s5 =	simm.s32 $0xFFFFFFFF;
	p2 =	slt.u32 s8, $0xFFFFF086  }
0x1c: {  	p1 =	slt.u32 s9, $0xF7A;
	s5 =	simm.s32 @!p2 $0x0  }
0x1d: {  	s5 =	simm.s32 @p1 $0x1;
	p0 =	seq.s32 s7, s2  }
0x1e: {  	s7 =	smul.u32 @!p0 $0xF7A, s2;
	p2 =	seq.s32 @!p0 s5, $0x0  }
0x1f: {  	s9 =	smul.u32 $0xF7A, s1;
	s8 =	simm.s32 @!p0 $0x1BF5;
	p2 =	por !p2, p0  }
0x20: {  	[sflag:s8] =	ssyncset.s32 @!p0 $0xFFFFF086;
	s6 =	sadd.s32 @!p0 s3, s7;
	s7 =	simm.s32 @!p0 $0x108  }
0x21: {  	s3 =	sadd.s32 s3, s9;
	s6 =	sadd.s32 @!p0 $0x88, s6;
	s7 =	simm.s32 @p2 $0x1082  }
0x22: {  	[simem:s7], [sflag:s8] =	dma.local @!p0 [hbm:s6], $0xF7A  }
0x23: {  	s9 =	sor.u32 $0xD0000000, s2;
	s6 =	simm.s32 $0x108;
	_ =	swait.ge @!p0 [sflag:s8], $0x0  }
0x24: {  	s3 =	sadd.s32 $0x88, s3;
	s6 =	simm.s32 @!p1 $0x1082;
	[sflag:s4] =	ssyncset.s32 $0xFFFFF086  }
0x25: {  	[simem:s6], [sflag:s4] =	dma.local [hbm:s3], $0xF7A  }
0x26: {  	[smem:$0x3F9E] =	sst s1;
	(tag) =	ssettag s2;
	_ =	strace s9  }
0x27: {  	s1 =	sld [smem:$0x3FAE]  }
0x28: {  	s2 =	sld [smem:$0x3FAF]  }
0x29: {  	s4 =	sld [smem:$0x3FB1]  }
0x2a: {  	p0 =	seq.s32 s5, $0x0;
	s5 =	sld [smem:$0x3FB2]  }
0x2b: {  	s6 =	sld [smem:$0x3FB3]  }
0x2c: {  	s7 =	sld [smem:$0x3FB4]  }
0x2d: {  	s3 =	simm.s32 $0x108;
	s8 =	sld [smem:$0x3FB5]  }
0x2e: {  	s3 =	simm.s32 @!p0 $0x1082;
	s9 =	sld [smem:$0x3FB6]  }
0x2f: {  	lr =	sadd.s32 s0, s3;
	s0 =	sld [smem:$0x3FAD]  }
0x30: {  	s3 =	sld [smem:$0x3FB0]  }
0x31: {  	[smem:$0x3FB9] =	sst s10  }
0x32: {  	s10 =	sld [smem:$0x3FB7];
	_ =	sdelay $0x3  }
0x33: {  	p0 =	seq.s32 s10, $0x1;
	s10 =	sld [smem:$0x3FB9];
	_ =	sdelay $0x3  }
0x34: {  	[smem:$0x3FB9] =	sst s10  }
0x35: {  	s10 =	sld [smem:$0x3FB8];
	_ =	sdelay $0x3  }
0x36: {  	p1 =	seq.s32 s10, $0x1;
	s10 =	sld [smem:$0x3FB9];
	_ =	sdelay $0x3  }
0x37: {  	[smem:$0x3FB9] =	sst s10  }
0x38: {  	s10 =	sld [smem:$0x3FBA]  }
0x39: {  	_ = 	snop;
	(pc) =	sbr.ind lr, $3  }
0x3a: {  	_ = 	snop  }
0x3b: {  	_ = 	snop  }
0x3c: {  	p2 =	seq.s32 s10, $0x1;
	s10 =	sld [smem:$0x3FB9]  }
0x3d: {  	_ =	shalt  }
0x3e: {  	_ =	shalt  }
0x3f: {  	_ =	shalt  }
0x40: {  	_ =	shalt  }
0x41: {  	_ =	shalt  }
0x42: {  	_ =	shalt  }
0x43: {  	_ =	shalt  }
0x44: {  	_ =	shalt  }
0x45: {  	_ =	shalt  }
0x46: {  	_ =	shalt  }
0x47: {  	_ =	shalt  }
0x48: {  	_ =	shalt  }
0x49: {  	_ =	shalt  }
0x4a: {  	_ =	shalt  }
0x4b: {  	_ =	shalt  }
0x4c: {  	_ =	shalt  }
0x4d: {  	_ =	shalt  }
0x4e: {  	_ =	shalt  }
0x4f: {  	_ =	shalt  }
0x50: {  	_ =	shalt  }
0x51: {  	_ =	shalt  }
0x52: {  	_ =	shalt  }
0x53: {  	_ =	shalt  }
0x54: {  	_ =	shalt  }
0x55: {  	_ =	shalt  }
0x56: {  	_ =	shalt  }
0x57: {  	_ =	shalt  }
0x58: {  	_ =	shalt  }
0x59: {  	_ =	shalt  }
0x5a: {  	_ =	shalt  }
0x5b: {  	_ =	shalt  }
0x5c: {  	_ =	shalt  }
0x5d: {  	_ =	shalt  }
0x5e: {  	_ =	shalt  }
0x5f: {  	_ =	shalt  }
0x60: {  	_ =	shalt  }
0x61: {  	_ =	shalt  }
0x62: {  	_ =	shalt  }
0x63: {  	_ =	shalt  }
0x64: {  	_ =	shalt  }
0x65: {  	_ =	shalt  }
0x66: {  	_ =	shalt  }
0x67: {  	_ =	shalt  }
0x68: {  	_ =	shalt  }
0x69: {  	_ =	shalt  }
0x6a: {  	_ =	shalt  }
0x6b: {  	_ =	shalt  }
0x6c: {  	_ =	shalt  }
0x6d: {  	_ =	shalt  }
0x6e: {  	_ =	shalt  }
0x6f: {  	_ =	shalt  }
0x70: {  	_ =	shalt  }
0x71: {  	_ =	shalt  }
0x72: {  	_ =	shalt  }
0x73: {  	_ =	shalt  }
0x74: {  	_ =	shalt  }
0x75: {  	_ =	shalt  }
0x76: {  	_ =	shalt  }
0x77: {  	_ =	shalt  }
0x78: {  	_ =	shalt  }
0x79: {  	_ =	shalt  }
0x7a: {  	_ =	shalt  }
0x7b: {  	_ =	shalt  }
0x7c: {  	_ =	shalt  }
0x7d: {  	_ =	shalt  }
0x7e: {  	_ =	shalt  }
0x7f: {  	_ =	shalt  }
0x80: {  	_ =	shalt  }
0x81: {  	_ =	shalt  }
0x82: {  	_ =	shalt  }
0x83: {  	_ =	shalt  }
0x84: {  	_ =	shalt  }
0x85: {  	_ =	shalt  }
0x86: {  	_ =	shalt  }
0x87: {  	_ =	shalt  }
.Lfunc_end0:
.L_simem_size_0:
called_computation.3_lowered:
.L_overlay_start_0:
0x88: {  	s2 =	sld [smem:$0x3FD9]  }
0x89: {  	s3 =	sld [smem:$0x3FFE];
	_ =	sdelay $0x1  }
0x8a: {  	s1 =	srdreg.scid  }
0x8b: {  	s0 =	sand.u32 $0x1, s1  }
0x8c: {  	s14 =	sshll.u32 s0, $0xA;
	s2 =	sadd.s32 s3, s2  }
0x8d: {  	s2 =	sadd.s32 s2, s14  }
0x8e: {  	[smem:$0x3FC5] =	sst s2  }
0x8f: {  	_ = 	snop  }
0x90: {  	s2 =	sld [smem:$0x3FD0];
	_ =	sdelay $0x2  }
0x91: {  	s15 =	simm.s32 $0xB;
	s4 =	simm.s32 $0x10  }
0x92: {  	[smem:s4], [sflag:s15] =	dma.local [hbm:s2], $0x1  }
0x93: {  	_ =	swait.eq [sflag:s15], $0x1  }
0x94: {  	[sflag:s15] =	ssyncset.done $0x0  }
0x95: {  	s16 =	sld [smem:$0x10];
	[sflag:s15] =	ssyncadd.s32 $0xFFFFFFFF  }
0x96: {  	s17 =	sld [smem:$0x11];
	(tm) =	ssettm $0x1  }
0x97: {  	s18 =	sld [smem:$0x3FFB];
	_ =	sdelay $0x3  }
0x98: {  	_ =	strace s18  }
0x99: {  	s4 =	sld [smem:$0x3FFC];
	_ =	sdelay $0x3  }
0x9a: {  	_ =	strace s4  }
0x9b: {  	s4 =	sld [smem:$0x3FFD];
	_ =	sdelay $0x3  }
0x9c: {  	_ =	strace s4  }
0x9d: {  	_ =	strace $0x8FFFFFFF  }
0x9e: {  	s19 =	sld [smem:$0x3FDB];
	_ =	sdelay $0x1  }
0x9f: {  	s5 =	simm.s32 $_scs_section_size  }
0xa0: {  	s6 =	simm.s32 $_size__tile_overlayer_lowered;
	s7 =	simm.s32 $_tile_overlayer_lowered  }
0xa1: {  	s22 =	simm.s32 $0x1BFF;
	s21 =	sshll.u32 s7, $0x1;
	s4 =	sadd.s32 s5, s19  }
0xa2: {  	s8 =	simm.s32 $0x0;
	s20 =	sshll.u32 s6, $0x1;
	s6 =	sadd.s32 s21, s4  }
0xa3: {  	[timem:s8], [sflag:s22] =	dma.local [hbm:s6], s20  }
0xa4: {  	_ =	swait.ge [sflag:s22], s20  }
0xa5: {  	s5 =	ssub.s32 $0x0, s20;
	[sflag:s22] =	ssyncset.done $0x0  }
0xa6: {  	[sflag:s22] =	ssyncadd.s32 s5;
	_ =	sdelay $0x1  }
0xa7: {  	s23 =	simm.s32 $0x1B8B  }
0xa8: {  	_ =	swait.ge [sflag:s23], $0x1  }
0xa9: {  	[sflag:s23] =	ssyncset.done $0x0  }
0xaa: {  	s25 =	simm.s32 $0x1B8E;
	s24 =	sld [smem:$0x3FFE];
	[sflag:s23] =	ssyncadd.s32 $0xFFFFFFFF  }
0xab: {  	s26 =	simm.s32 $execute0_lowered;
	[smem:$0x3FD2] =	sst s25  }
0xac: {  	s6 =	sshll.u32 s26, $0x1;
	_ =	strace $0x8000004C;
	[dreg:$0x1] =	wrdreg $0xFFFFFFFF  }
0xad: {  	s28 =	simm.s32 $_size_execute0_lowered;
	s4 =	sadd.s32 s4, s6;
	[dreg:$0x0] =	wrdreg $0x0  }
0xae: {  	s6 =	sshll.u32 s28, $0x1;
	[dreg:$0x2] =	wrdreg s4  }
0xaf: {  	[dreg:$0x3] =	wrdreg s6  }
0xb0: {  	[dreg:$0x4] =	wrdreg $0xC0  }
0xb1: {  	_ =	task [dreg:s8], $0x5FFFF  }
0xb2: {  	[dreg:$0x1] =	wrdreg $0xFFFFFFFF  }
0xb3: {  	[dreg:$0x0] =	wrdreg $0x60  }
0xb4: {  	[dreg:$0x2] =	wrdreg s24  }
0xb5: {  	[dreg:$0x3] =	wrdreg s16  }
0xb6: {  	[dreg:$0x4] =	wrdreg s17  }
0xb7: {  	[dreg:$0x5] =	wrdreg $0x9  }
0xb8: {  	_ =	task.clear_ibuf [dreg:s8], $0x6FFFF;
	_ =	strace $0x9000004C  }
0xb9: {  	s29 =	simm.s32 $0x9;
	_ =	strace $0x8000004E  }
0xba: {  	_ =	swait.ge [sflag:s29], $0x1  }
0xbb: {  	[sflag:s29] =	ssyncadd.s32 $0xFFFFFFFF  }
0xbc: {  	_ =	strace $0x9000004E  }
0xbd: {  	_ =	sfence  }
0xbe: {  	s30 =	sld [smem:$0x0];
	_ =	sdelay $0x2  }
0xbf: {  	s31 =	sshll.u32 s1, $0xD;
	s1 =	sshrl.u32 s1, $0x2  }
0xc0: {  	s3 =	sand.u32 $0x4000, s31;
	s1 =	sadd.s32 s1, s30  }
0xc1: {  	s0 =	sor.u32 s3, s0;
	s1 =	sshll.u32 s1, $0x11  }
0xc2: {  	s0 =	sor.u32 s1, s0  }
0xc3: {  	s0 =	sadd.s32 $0x8F2B, s0  }
0xc4: {  	[sflag:s0] =	ssyncadd.remote.s32 $0x1  }
0xc5: {  	_ =	sfence.sel $0xFFFF  }
0xc6: {  	[dreg:$0x0] =	wrdreg $0xFFFFFFFF;
	(pc) =	sbr.abs _section_cstart, $3  }
0xc7: {  	[dreg:$0x1] =	wrdreg $0xFFFFFFFF  }
0xc8: {  	_ =	task.clear_ibuf [dreg:s8], $0x2FFFF;
	_ =	strace $0x9FFFFFFF  }
0xc9: {  	(tm) =	ssettm $0x7FFFFFFF  }
tec
execute0_lowered:
.L_overlay_start_1:
0x0: {  	(tag) =	ssettag $0x1  }
0x1: {  	s4 =	rddreg [dreg:$0x0]  }
0x2: {  	s10 =	rddreg [dreg:$0x1];
	s1 =	srdreg.scid  }
0x3: {  	s0 =	stileid.u32;
	s8 =	rddreg [dreg:$0x2];
	s2 =	simm.s32 $0x0  }
0x4: {  	s17 =	simm.s32 $0xC800;
	s18 =	simm.s32 $0xA800;
	s19 =	simm.s32 $0x1  }
0x5: {  	s20 =	simm.s32 $0x2A00;
	s11 =	sand.u32 $0x1, s1;
	s7 =	smul.u32 $0x268000, s0  }
0x6: {  	s3 =	sshll.u32 s0, $0x1;
	[smem:$0x7FF] =	sst s2;
	s31 =	smul.u32 $0x4D000, s0  }
0x7: {  	s28 =	sshll.u32 s0, $0x10;
	s9 =	sor.u32 s11, s3;
	s13 =	smul.u32 $0x134000, s11  }
0x8: {  	s21 =	ssub.s32 $0x2, s11;
	s16 =	sshll.u32 s11, $0xF;
	s11 =	smul.u32 $0x26800, s11  }
0x9: {  	_ =	strace $0x8000004D;
	s3 =	sshll.u32 s9, $0x8;
	s5 =	smul.u32 $0xF4, s9  }
0xa: {  	s14 =	sshrl.u32 s21, $0x1;
	s22 =	sshll.u32 s9, $0x5;
	s23 =	sshll.u32 s9, $0xF  }
0xb: {  	s9 =	sshll.u32 s9, $0x2;
	s29 =	sor.u32 s16, s28;
	s16 =	simm.s32 $0x14FA0  }
0xc: {  	s6 =	sadd.s32 s3, s4;
	s3 =	sadd.s32 $0x1600, s4;
	s14 =	ssub.s32 s21, s14  }
0xd: {  	s13 =	sadd.s32 s13, s7;
	[dreg:$0x4] =	wrdreg s22;
	s8 =	sadd.s32 s8, s9  }
0xe: {  	s21 =	simm.s32 $0x2;
	s12 =	sadd.s32 s5, s4;
	s4 =	sadd.s32 $0x101600, s4  }
0xf: {  	s22 =	simm.s32 $0xCA00;
	s5 =	sadd.s32 $0x405600, s6;
	s7 =	sor.u32 $0x2200, s13  }
0x10: {  	s25 =	sshrl.u32 s13, $0x3;
	s9 =	smax.u32 s14, $0x1;
	s30 =	sadd.s32 $0xBC00, s13  }
0x11: {  	s13 =	sadd.s32 $0x9C00, s13;
	s6 =	sadd.s32 $0x407600, s12;
	s15 =	sshrl.u32 s7, $0x3  }
0x12: {  	s7 =	sadd.s32 s3, s23;
	s26 =	sadd.s32 s25, s10;
	s12 =	sadd.s32 s29, s3  }
0x13: {  	s14 =	sshrl.u32 s30, $0x3;
	s13 =	sshrl.u32 s13, $0x3;
	s23 =	simm.s32 $0x0  }
0x14: {  	s24 =	sadd.s32 s15, s10;
	[dreg:$0x6] =	wrdreg s26;
	s14 =	sadd.s32 s14, s10  }
0x15: {  	s15 =	sadd.s32 s31, s10;
	s13 =	sadd.s32 s13, s10;
	[dreg:$0x5] =	wrdreg s24  }
0x16: {  	s10 =	sadd.s32 $0x400, s12;
	s12 =	simm.s32 $0x3;
	[dreg:$0x7] =	wrdreg s14  }
0x17: {  	s11 =	sadd.s32 s11, s15;
	[dreg:$0x8] =	wrdreg s13;
	s13 =	simm.s32 $0x40  }
0x18: {  	s14 =	simm.s32 $0x2800;
	s15 =	simm.s32 $0x800;
	s11 =	sadd.s32 $0x1340, s11  }
.LBB2_1:
0x19: {  	[tilespmem:s2], [sflag:$0x3] =	stream.linear.gather [hbm4b:s5+s2], $0x800, $0x38;
	[tilespmem:$0x14FC0] =	vst v63  }
0x1a: {  	_ =	swait.ge [sflag:s12], $0x800  }
0x1b: {  	[sflag:s12] =	ssyncset.done $0x0  }
0x1c: {  	s24 =	simm.s32 $0x14800;
	[sflag:s12] =	ssyncadd.s32 $0xFFFFF800  }
0x1d: {  	[tilespmem:s24], [sflag:$0x3] =	stream.linear.gather [hbm4b:s6+s2], $0x7A0, $0x38;
	[tilespmem:$0x14FC0] =	vst v63  }
0x1e: {  	_ =	swait.ge [sflag:s12], $0x7A0  }
0x1f: {  	[sflag:s12] =	ssyncset.done $0x0  }
0x20: {  	[sflag:s12] =	ssyncadd.s32 $0xFFFFF860  }
0x21: {  	[tilespmem:s14], [sflag:$0x1] =	stream.indirect.gather [hbm4b:s4+s13], $0x200, s2, s13, $0xb8;
	[tilespmem:$0x14FC0] =	vst v63  }
0x22: {  	_ = 	snop  }
0x23: {  	[tilespmem:s15], [sflag:$0x1] =	stream.linear.gather [hbm4b:s7+s2], $0x2000, $0x38;
	[tilespmem:$0x14FC0] =	vst v63  }
0x24: {  	v2 =	vld [tilespmem:s24+$0x0];
	_ =	sdelay $0x3  }
0x25: {  	v1 =	vimm.s32 $0x80000000  }
0x26: {  	v0 =	vimm.s32 $0x0;
	s25 =	simm.s32 $0x14820;
	s26 =	simm.s32 $0x0;
	s24 =	simm.s32 $0x1;
	vm0 =	vgt.s32 v2, v1;
	vm1 =	vgt.s32 v1, v2  }
.LBB2_2:
0x27: {  	p0 =	sne.s32 s24, $0x3C;
	v1 =	vsel vm1, v1, v2;
	v2 =	vld [tilespmem:s25+$0x0];
	v0 =	vsel vm0, s26, v0;
	s26 =	smov.u32 s24;
	s24 =	sadd.s32 $0x1, s24  }
.Ltmp0:
0x28: {  	(pc) =	sbr.rel @p0 .LBB2_2-.Ltmp0, $2  }
0x29: {  	_ =	sdelay $0x2  }
0x2a: {  	s25 =	sadd.s32 $0x20, s25;
	vm0 =	vgt.s32 v2, v1;
	vm1 =	vgt.s32 v1, v2  }
0x2b: {  	v0 =	vsel vm0, s26, v0  }
0x2c: {  	v0 =	vadd.s32 $0x10, v0  }
0x2d: {  	s24 =	simm.s32 $0x14810;
	[tilespmem:$0x14FA0] =	vst v0  }
0x2e: {  	v1 =	vld [tilespmem:s24+$0x0];
	_ =	sdelay $0x3  }
0x2f: {  	v0 =	vimm.s32 $0x80000000  }
0x30: {  	v2 =	vimm.s32 $0x0;
	s25 =	simm.s32 $0x1;
	s26 =	simm.s32 $0x14830;
	s24 =	simm.s32 $0x0;
	vm0 =	vgt.s32 v1, v0;
	vm1 =	vgt.s32 v0, v1  }
.LBB2_4:
0x31: {  	p0 =	sne.s32 s25, $0x3C;
	v0 =	vsel vm1, v0, v1;
	v1 =	vld [tilespmem:s26+$0x0];
	v2 =	vsel vm0, s24, v2;
	s24 =	smov.u32 s25;
	s25 =	sadd.s32 $0x1, s25  }
.Ltmp1:
0x32: {  	(pc) =	sbr.rel @p0 .LBB2_4-.Ltmp1, $2  }
0x33: {  	_ =	sdelay $0x2  }
0x34: {  	s26 =	sadd.s32 $0x20, s26;
	vm0 =	vgt.s32 v1, v0;
	vm1 =	vgt.s32 v0, v1  }
0x35: {  	v0 =	vsel vm0, s24, v2  }
0x36: {  	v0 =	vadd.s32 $0x10, v0  }
0x37: {  	s24 =	simm.s32 $0x0;
	[tilespmem:$0x14FB0] =	vst v0  }
0x38: {  	[hbm4b:s8+s24] =	stream.linear.scatter [tilespmem:s16], [sflag:$0x3], $0x20, $0x38;
	[tilespmem:$0x14FC0] =	vst v63  }
0x39: {  	_ =	swait.ge [sflag:s12], $0x20  }
0x3a: {  	[sflag:s12] =	ssyncset.done $0x0  }
0x3b: {  	s25 =	simm.s32 $0x40;
	[sflag:s12] =	ssyncadd.s32 $0xFFFFFFE0  }
0x3c: {  	[tilespmem:s17], [sflag:$0x2] =	stream.indirect.gather [hbm4b:s4+s13], $0x200, s25, s13, $0xb8;
	[tilespmem:$0x14FC0] =	vst v63  }
0x3d: {  	_ = 	snop  }
0x3e: {  	[tilespmem:s18], [sflag:$0x2] =	stream.linear.gather [hbm4b:s10+s2], $0x2000, $0x38;
	[tilespmem:$0x14FC0] =	vst v63  }
0x3f: {  	_ =	swait.ge [sflag:s19], $0x8000  }
0x40: {  	[sflag:s19] =	ssyncset.done $0x0  }
0x41: {  	[sflag:s19] =	ssyncadd.s32 $0xFFFF8000  }
0x42: {  	_ =	swait.ge [sflag:s19], $0x2000  }
0x43: {  	s26 =	rddreg [dreg:$0x6];
	[sflag:s19] =	ssyncset.done $0x0  }
0x44: {  	[sflag:s19] =	ssyncadd.s32 $0xFFFFE000;
	s26 =	sadd.s32 $0x0, s26  }
0x45: {  	[hbm4b:s26+s2] =	stream.linear.scatter [tilespmem:s14], [sflag:$0x3], $0x200, $0x38;
	[tilespmem:$0x14FC0] =	vst v63  }
0x46: {  	_ =	swait.ge [sflag:s12], $0x200  }
0x47: {  	[sflag:s12] =	ssyncset.done $0x0  }
0x48: {  	s26 =	sadd.s32 $0x40, s26;
	[sflag:s12] =	ssyncadd.s32 $0xFFFFFE00  }
0x49: {  	[hbm4b:s26+s2] =	stream.linear.scatter [tilespmem:s15], [sflag:$0x3], $0x2000, $0x38;
	[tilespmem:$0x14FC0] =	vst v63  }
0x4a: {  	_ =	swait.ge [sflag:s12], $0x2000  }
0x4b: {  	s31 =	rddreg [dreg:$0x5];
	[sflag:s12] =	ssyncset.done $0x0  }
0x4c: {  	[sflag:s12] =	ssyncadd.s32 $0xFFFFE000;
	s26 =	sadd.s32 $0x0, s31  }
0x4d: {  	[hbm4b:s26+s2] =	stream.linear.scatter [tilespmem:s20], [sflag:$0x3], $0x7800, $0x38;
	[tilespmem:$0x14FC0] =	vst v63  }
0x4e: {  	s1 =	smin.u32 s24, $0x1D;
	_ =	swait.ge [sflag:s12], $0x7800  }
0x4f: {  	s26 =	sadd.s32 $0x2, s1;
	[sflag:s12] =	ssyncset.done $0x0;
	s28 =	rddreg [dreg:$0x4]  }
0x50: {  	s29 =	sshll.u32 s26, $0x6;
	[sflag:s12] =	ssyncadd.s32 $0xFFFF8800;
	s26 =	sadd.s32 s28, s26  }
0x51: {  	[tilespmem:s14], [sflag:$0x1] =	stream.indirect.gather [hbm4b:s4+s13], $0x200, s29, s13, $0xb8;
	[tilespmem:$0x14FC0] =	vst v63  }
0x52: {  	s26 =	sshll.u32 s26, $0xA  }
0x53: {  	s26 =	sadd.s32 s3, s26  }
0x54: {  	[tilespmem:s15], [sflag:$0x1] =	stream.linear.gather [hbm4b:s26+s2], $0x2000, $0x38;
	[tilespmem:$0x14FC0] =	vst v63  }
0x55: {  	_ =	swait.ge [sflag:s21], $0x8000  }
0x56: {  	[sflag:s21] =	ssyncset.done $0x0  }
0x57: {  	[sflag:s21] =	ssyncadd.s32 $0xFFFF8000  }
0x58: {  	_ =	swait.ge [sflag:s21], $0x2000  }
0x59: {  	[sflag:s21] =	ssyncset.done $0x0  }
0x5a: {  	s29 =	sadd.s32 $0x0, s11;
	[sflag:s21] =	ssyncadd.s32 $0xFFFFE000  }
0x5b: {  	[hbm4b:s29+s2] =	stream.linear.scatter [tilespmem:s17], [sflag:$0x3], $0x200, $0x38;
	[tilespmem:$0x14FC0] =	vst v63  }
0x5c: {  	_ =	swait.ge [sflag:s12], $0x200  }
0x5d: {  	s30 =	rddreg [dreg:$0x8];
	[sflag:s12] =	ssyncset.done $0x0  }
0x5e: {  	[sflag:s12] =	ssyncadd.s32 $0xFFFFFE00;
	s26 =	sadd.s32 $0x0, s30  }
0x5f: {  	[hbm4b:s26+s2] =	stream.linear.scatter [tilespmem:s18], [sflag:$0x3], $0x2000, $0x38;
	[tilespmem:$0x14FC0] =	vst v63  }
0x60: {  	_ =	swait.ge [sflag:s12], $0x2000  }
0x61: {  	s31 =	rddreg [dreg:$0x7];
	[sflag:s12] =	ssyncset.done $0x0  }
0x62: {  	[sflag:s12] =	ssyncadd.s32 $0xFFFFE000;
	s26 =	sadd.s32 $0x0, s31  }
0x63: {  	[hbm4b:s26+s2] =	stream.linear.scatter [tilespmem:s22], [sflag:$0x3], $0x7800, $0x38;
	[tilespmem:$0x14FC0] =	vst v63  }
0x64: {  	s28 =	sadd.s32 $0x800, s10;
	s26 =	simm.s32 $0x2680  }
.LBB2_6:
0x65: {  	_ =	swait.ge [sflag:s12], $0x7800  }
0x66: {  	[sflag:s12] =	ssyncset.done $0x0  }
0x67: {  	s25 =	sadd.s32 $0x80, s25;
	[sflag:s12] =	ssyncadd.s32 $0xFFFF8800  }
0x68: {  	[tilespmem:s17], [sflag:$0x2] =	stream.indirect.gather [hbm4b:s4+s13], $0x200, s25, s13, $0xb8;
	[tilespmem:$0x14FC0] =	vst v63  }
0x69: {  	_ = 	snop  }
0x6a: {  	[tilespmem:s18], [sflag:$0x2] =	stream.linear.gather [hbm4b:s28+s2], $0x2000, $0x38;
	[tilespmem:$0x14FC0] =	vst v63  }
0x6b: {  	_ =	swait.ge [sflag:s19], $0x8000  }
0x6c: {  	[sflag:s19] =	ssyncset.done $0x0  }
0x6d: {  	[sflag:s19] =	ssyncadd.s32 $0xFFFF8000  }
0x6e: {  	_ =	swait.ge [sflag:s19], $0x2000  }
0x6f: {  	s29 =	smov.u32 s26;
	[sflag:s19] =	ssyncset.done $0x0;
	s30 =	rddreg [dreg:$0x6]  }
0x70: {  	[sflag:s19] =	ssyncadd.s32 $0xFFFFE000;
	s30 =	sadd.s32 s29, s30  }
0x71: {  	[hbm4b:s30+s2] =	stream.linear.scatter [tilespmem:s14], [sflag:$0x3], $0x200, $0x38;
	[tilespmem:$0x14FC0] =	vst v63  }
0x72: {  	_ =	swait.ge [sflag:s12], $0x200  }
0x73: {  	[sflag:s12] =	ssyncset.done $0x0  }
0x74: {  	s30 =	sadd.s32 $0x40, s30;
	[sflag:s12] =	ssyncadd.s32 $0xFFFFFE00  }
0x75: {  	[hbm4b:s30+s2] =	stream.linear.scatter [tilespmem:s15], [sflag:$0x3], $0x2000, $0x38;
	[tilespmem:$0x14FC0] =	vst v63  }
0x76: {  	_ =	swait.ge [sflag:s12], $0x2000  }
0x77: {  	[sflag:s12] =	ssyncset.done $0x0;
	s31 =	rddreg [dreg:$0x5]  }
0x78: {  	s24 =	sadd.s32 $0x2, s24;
	[sflag:s12] =	ssyncadd.s32 $0xFFFFE000;
	s30 =	sadd.s32 s29, s31  }
0x79: {  	[hbm4b:s30+s2] =	stream.linear.scatter [tilespmem:s20], [sflag:$0x3], $0x7800, $0x38;
	[tilespmem:$0x14FC0] =	vst v63  }
0x7a: {  	s1 =	smin.u32 s24, $0x1D;
	_ =	swait.ge [sflag:s12], $0x7800  }
0x7b: {  	s30 =	sadd.s32 $0x2, s1;
	[sflag:s12] =	ssyncset.done $0x0;
	s31 =	rddreg [dreg:$0x4]  }
0x7c: {  	s1 =	sshll.u32 s30, $0x6;
	[sflag:s12] =	ssyncadd.s32 $0xFFFF8800;
	s30 =	sadd.s32 s31, s30  }
0x7d: {  	[tilespmem:s14], [sflag:$0x1] =	stream.indirect.gather [hbm4b:s4+s13], $0x200, s1, s13, $0xb8;
	[tilespmem:$0x14FC0] =	vst v63  }
0x7e: {  	s1 =	sshll.u32 s30, $0xA  }
0x7f: {  	s1 =	sadd.s32 s3, s1  }
0x80: {  	[tilespmem:s15], [sflag:$0x1] =	stream.linear.gather [hbm4b:s1+s2], $0x2000, $0x38;
	[tilespmem:$0x14FC0] =	vst v63  }
0x81: {  	_ =	swait.ge [sflag:s21], $0x8000  }
0x82: {  	[sflag:s21] =	ssyncset.done $0x0  }
0x83: {  	[sflag:s21] =	ssyncadd.s32 $0xFFFF8000  }
0x84: {  	_ =	swait.ge [sflag:s21], $0x2000  }
0x85: {  	[sflag:s21] =	ssyncset.done $0x0  }
0x86: {  	s31 =	sadd.s32 s29, s11;
	[sflag:s21] =	ssyncadd.s32 $0xFFFFE000  }
0x87: {  	[hbm4b:s31+s2] =	stream.linear.scatter [tilespmem:s17], [sflag:$0x3], $0x200, $0x38;
	[tilespmem:$0x14FC0] =	vst v63  }
0x88: {  	_ =	swait.ge [sflag:s12], $0x200  }
0x89: {  	s30 =	rddreg [dreg:$0x8];
	[sflag:s12] =	ssyncset.done $0x0  }
0x8a: {  	p0 =	sne.s32 s26, $0x24180;
	[sflag:s12] =	ssyncadd.s32 $0xFFFFFE00;
	s1 =	sadd.s32 s29, s30  }
0x8b: {  	[hbm4b:s1+s2] =	stream.linear.scatter [tilespmem:s18], [sflag:$0x3], $0x2000, $0x38;
	[tilespmem:$0x14FC0] =	vst v63  }
.Ltmp2:
0x8c: {  	_ = 	snop;
	(pc) =	sbr.rel @p0 .LBB2_6-.Ltmp2, $4  }
0x8d: {  	_ =	swait.ge [sflag:s12], $0x2000  }
0x8e: {  	s26 =	sadd.s32 $0x2680, s26;
	s31 =	rddreg [dreg:$0x7];
	[sflag:s12] =	ssyncset.done $0x0  }
0x8f: {  	s28 =	sadd.s32 $0x800, s28;
	[sflag:s12] =	ssyncadd.s32 $0xFFFFE000;
	s1 =	sadd.s32 s29, s31  }
0x90: {  	[hbm4b:s1+s2] =	stream.linear.scatter [tilespmem:s22], [sflag:$0x3], $0x7800, $0x38;
	[tilespmem:$0x14FC0] =	vst v63  }
0x91: {  	_ =	swait.ge [sflag:s12], $0x7800  }
0x92: {  	[sflag:s12] =	ssyncset.done $0x0  }
0x93: {  	s23 =	sadd.s32 $0x1, s23;
	[sflag:s12] =	ssyncadd.s32 $0xFFFF8800  }
0x94: {  	p0 =	sne.s32 s23, s9;
	_ =	swait.ge [sflag:s19], $0x8000  }
.Ltmp3:
0x95: {  	[sflag:s19] =	ssyncset.done $0x0;
	(pc) =	sbr.rel @p0 .LBB2_1-.Ltmp3, $4  }
0x96: {  	[sflag:s19] =	ssyncadd.s32 $0xFFFF8000  }
0x97: {  	_ =	swait.ge [sflag:s19], $0x2000  }
0x98: {  	[sflag:s19] =	ssyncset.done $0x0  }
0x99: {  	[sflag:s19] =	ssyncadd.s32 $0xFFFFE000  }
0x9a: {  	_ =	sfence.sel $0x180000  }
0x9b: {  	[bflag:$0x0] =	sbarrier.arrive $0xFFFF  }
0x9c: {  	_ =	strace $0x9000004D  }
0x9d: {  	[bflag:$0x2] =	sbarrier.arrive $0xFFFF  }
0x9e: {  	p0 =	sne.s32 s0, $0x0;
	s0 =	rddreg [dreg:$0x3]  }
0x9f: {  	s0 =	sadd.s32 @!p0 $0x100000, s0  }
0xa0: {  	[sflag:s0] =	ssyncadd.tile.s32 @!p0 $0x1;
	_ =	shalt  }
.Lfunc_end2:
_tile_overlayer_lowered:
.L_overlay_start_2:
0xa1: {  	(tag) =	ssettag $0x2  }
0xa2: {  	s0 =	rddreg [dreg:$0x0];
	s2 =	stileid.u32  }
0xa3: {  	s1 =	rddreg [dreg:$0x1];
	p0 =	sne.s32 s2, $0x0  }
0xa4: {  	s3 =	rddreg [dreg:$0x2];
	[bflag:$0x3] =	sbarrier.arrive $0xFFFF;
	s2 =	simm.s32 @!p0 $0x1C03  }
0xa5: {  	[timem:s3], [sflag:s2] =	dma.local @!p0 [hbm:s0], s1  }
0xa6: {  	s0 =	simm.s32 @!p0 $0x3  }
0xa7: {  	_ =	swait.ge @!p0 [sflag:s0], s1  }
0xa8: {  	s1 =	ssub.s32 @!p0 $0x0, s1;
	[sflag:s0] =	ssyncset.done @!p0 $0x0  }
0xa9: {  	[sflag:s0] =	ssyncadd.s32 @!p0 s1  }
0xaa: {  	[bflag:$0x3] =	sbarrier.arrive $0xFFFF  }
0xab: {  	_ =	shalt  }

// kernel: sparse-core-data-format-call.1.cloned.1.call-start
scs
called_computation.1_lowered:
.L_overlay_start_0:
0x0: {  	s2 =	sld [smem:$0x3FD9]  }
0x1: {  	s3 =	sld [smem:$0x3FFE];
	_ =	sdelay $0x1  }
0x2: {  	s1 =	srdreg.scid  }
0x3: {  	s0 =	sand.u32 $0x1, s1  }
0x4: {  	s18 =	sshll.u32 s0, $0xA;
	s2 =	sadd.s32 s3, s2  }
0x5: {  	s2 =	sadd.s32 s2, s18  }
0x6: {  	[smem:$0x3FC5] =	sst s2  }
0x7: {  	_ = 	snop  }
0x8: {  	s19 =	sld [smem:$0x3FC7];
	(tm) =	ssettm $0x1  }
0x9: {  	s20 =	sld [smem:$0x3FFB];
	_ =	sdelay $0x3  }
0xa: {  	_ =	strace s20  }
0xb: {  	s2 =	sld [smem:$0x3FFC];
	_ =	sdelay $0x3  }
0xc: {  	_ =	strace s2  }
0xd: {  	s2 =	sld [smem:$0x3FFD];
	_ =	sdelay $0x3  }
0xe: {  	_ =	strace s2  }
0xf: {  	_ =	strace $0x8FFFFFFF  }
0x10: {  	s21 =	sld [smem:$0x3FDB];
	_ =	sdelay $0x1  }
0x11: {  	s4 =	simm.s32 $_scs_section_size  }
0x12: {  	s5 =	simm.s32 $_size__tile_overlayer_lowered;
	s6 =	simm.s32 $_tile_overlayer_lowered  }
0x13: {  	s7 =	simm.s32 $0x1BFF;
	s22 =	sshll.u32 s6, $0x1;
	s4 =	sadd.s32 s4, s21  }
0x14: {  	s23 =	simm.s32 $0x0;
	s5 =	sshll.u32 s5, $0x1;
	s6 =	sadd.s32 s22, s4  }
0x15: {  	[timem:s23], [sflag:s7] =	dma.local [hbm:s6], s5  }
0x16: {  	_ =	swait.ge [sflag:s7], s5  }
0x17: {  	s5 =	ssub.s32 $0x0, s5;
	[sflag:s7] =	ssyncset.done $0x0  }
0x18: {  	[sflag:s7] =	ssyncadd.s32 s5;
	_ =	sdelay $0x1  }
0x19: {  	s24 =	simm.s32 $0x1B8B  }
0x1a: {  	_ =	swait.ge [sflag:s24], $0x1  }
0x1b: {  	[sflag:s24] =	ssyncset.done $0x0  }
0x1c: {  	[sflag:s24] =	ssyncadd.s32 $0xFFFFFFFF  }
0x1d: {  	s5 =	sld [smem:$0x0]  }
0x1e: {  	s6 =	sand.u32 $0xFFFFFFFE, s1  }
0x1f: {  	p0 =	sne.s32 s1, s6  }
0x20: {  	s6 =	sshll.u32 @p0 s6, $0xE  }
0x21: {  	s6 =	sadd.s32 @p0 $0x11B8D, s6;
	s7 =	sshll.u32 @p0 s5, $0x11  }
0x22: {  	s6 =	sor.u32 @p0 s7, s6  }
0x23: {  	[sflag:s6] =	ssyncadd.remote.s32 @p0 $0x1;
	_ =	sdelay $0x1  }
0x24: {  	s6 =	simm.s32 @p0 $0x1B8D  }
0x25: {  	_ =	swait.eq @p0 [sflag:s6], $0x1  }
0x26: {  	[sflag:s6] =	ssyncadd.s32 @p0 $0xFFFFFFFF  }
0x27: {  	s7 =	sshll.u32 @!p0 s1, $0xE  }
0x28: {  	s7 =	sor.u32 @!p0 $0x4000, s7;
	s6 =	simm.s32 @!p0 $0x1B8D  }
0x29: {  	s5 =	sshll.u32 @!p0 s5, $0x11;
	s7 =	sadd.s32 @!p0 $0x11B8D, s7;
	_ =	swait.eq @!p0 [sflag:s6], $0x1  }
0x2a: {  	s5 =	sor.u32 @!p0 s5, s7;
	[sflag:s6] =	ssyncadd.s32 @!p0 $0xFFFFFFFF  }
0x2b: {  	s26 =	simm.s32 $0x1B8E;
	s25 =	sld [smem:$0x3FFE];
	[sflag:s5] =	ssyncadd.remote.s32 @!p0 $0x1  }
0x2c: {  	s27 =	simm.s32 $execute0_lowered;
	[smem:$0x3FD2] =	sst s26  }
0x2d: {  	s6 =	sshll.u32 s27, $0x1;
	_ =	strace $0x80000049;
	[dreg:$0x1] =	wrdreg $0xFFFFFFFF  }
0x2e: {  	s28 =	simm.s32 $_size_execute0_lowered;
	s4 =	sadd.s32 s4, s6;
	[dreg:$0x0] =	wrdreg $0x0  }
0x2f: {  	s6 =	sshll.u32 s28, $0x1;
	[dreg:$0x2] =	wrdreg s4  }
0x30: {  	[dreg:$0x3] =	wrdreg s6  }
0x31: {  	[dreg:$0x4] =	wrdreg $0xC0  }
0x32: {  	_ =	task [dreg:s23], $0x5FFFF  }
0x33: {  	[dreg:$0x1] =	wrdreg $0xFFFFFFFF  }
0x34: {  	[dreg:$0x0] =	wrdreg $0x60  }
0x35: {  	[dreg:$0x2] =	wrdreg s19  }
0x36: {  	[dreg:$0x3] =	wrdreg s25  }
0x37: {  	[dreg:$0x4] =	wrdreg $0x9  }
0x38: {  	_ =	task.clear_ibuf [dreg:s23], $0x5FFFF;
	_ =	strace $0x90000049  }
0x39: {  	s29 =	simm.s32 $0x9;
	_ =	strace $0x8000004B  }
0x3a: {  	_ =	swait.ge [sflag:s29], $0x1  }
0x3b: {  	[sflag:s29] =	ssyncadd.s32 $0xFFFFFFFF  }
0x3c: {  	_ =	strace $0x9000004B  }
0x3d: {  	_ =	sfence  }
0x3e: {  	s30 =	sld [smem:$0x0];
	_ =	sdelay $0x2  }
0x3f: {  	s31 =	sshll.u32 s1, $0xD;
	s1 =	sshrl.u32 s1, $0x2  }
0x40: {  	s4 =	sand.u32 $0x4000, s31;
	s1 =	sadd.s32 s1, s30  }
0x41: {  	s0 =	sor.u32 s4, s0;
	s1 =	sshll.u32 s1, $0x11  }
0x42: {  	s0 =	sor.u32 s1, s0  }
0x43: {  	s0 =	sadd.s32 $0x8F2B, s0  }
0x44: {  	[sflag:s0] =	ssyncadd.remote.s32 $0x1  }
0x45: {  	_ =	sfence.sel $0xFFFF  }
0x46: {  	[dreg:$0x0] =	wrdreg $0xFFFFFFFF;
	(pc) =	sbr.abs _section_cstart, $3  }
0x47: {  	[dreg:$0x1] =	wrdreg $0xFFFFFFFF  }
0x48: {  	_ =	task.clear_ibuf [dreg:s23], $0x2FFFF;
	_ =	strace $0x9FFFFFFF  }
0x49: {  	(tm) =	ssettm $0x7FFFFFFF  }
tec
execute0_lowered:
.L_overlay_start_1:
0x0: {  	(tag) =	ssettag $0x1  }
0x1: {  	s0 =	srdreg.scid  }
0x2: {  	s1 =	sshll.u32 s0, $0x4  }
0x3: {  	s2 =	rddreg [dreg:$0x0];
	s0 =	stileid.u32;
	s1 =	sand.u32 $0x10, s1  }
0x4: {  	s4 =	rddreg [dreg:$0x1];
	s7 =	simm.s32 $0x1;
	s1 =	sor.u32 s0, s1  }
0x5: {  	s8 =	simm.s32 $0x2;
	s9 =	simm.s32 $0x0;
	s3 =	sshll.u32 s1, $0x2  }
0x6: {  	s12 =	simm.s32 $0x0;
	s11 =	simm.s32 $0x0;
	s6 =	ssub.s32 $0x1820, s3  }
.Ltmp0:
0x7: {  	s4 =	sadd.s32 $0x101600, s4;
	s5 =	sand.u32 $0x7C, s6;
	(pc) =	sbr.rel .LBB1_1-.Ltmp0, $4  }
0x8: {  	s1 =	rddreg [dreg:$0x2];
	_ =	strace $0x8000004A;
	p0 =	sne.s32 s5, $0x0  }
0x9: {  	s6 =	sshrl.u32 s6, $0x7;
	s5 =	simm.s32 $0x1;
	s7 =	simm.s32 @!p0 $0x0  }
0xa: {  	s10 =	smov.u32 s3;
	[sflag:s5] =	ssyncpa.u1 $0x0;
	s6 =	sadd.s32 s7, s6  }
0xb: {  	[sflag:s8] =	ssyncpa.u1 $0x0;
	s8 =	simm.s32 $0x0;
	s7 =	sadd.s32 $0x1, s6  }
.LBB1_9:
0xc: {  	s14 =	sadd.s32 $0x80, s10  }
0xd: {  	p1 =	sgt.s32 s14, $0x181F  }
0xe: {  	s14 =	smov.u32 @p1 s3;
	p1 =	sne.s32 s11, s7  }
.Ltmp1:
0xf: {  	p0 =	slt.u32 s11, $0x2;
	(pc) =	sbr.rel @!p1 .LBB1_10-.Ltmp1, $4  }
0x10: {  	s13 =	simm.s32 @!p0 $0x2  }
0x11: {  	s15 =	sadd.s32 $0x1, s11;
	_ =	swait.ge @!p0 [sflag:s13], $0x4000  }
0x12: {  	s12 =	smov.u32 s10;
	s9 =	sadd.s32 $0x4000, s9;
	[sflag:s13] =	ssyncset.done @!p0 $0x0  }
0x13: {  	s11 =	smov.u32 s15;
	s10 =	smov.u32 s14;
	[sflag:s13] =	ssyncadd.s32 @!p0 $0xFFFFC000  }
.LBB1_1:
0x14: {  	p0 =	sge.u32 s11, s6  }
0x15: {  	s13 =	sxor.u32 @!p0 $0xFFFFFFFF, s11  }
0x16: {  	s31 =	sadd.s32 $0xFFFFFFFF, s11;
	s14 =	sshll.u32 @!p0 s10, $0x9;
	s13 =	sshll.u32 @!p0 s13, $0xE  }
0x17: {  	s15 =	simm.s32 @!p0 $0x0;
	s14 =	sadd.s32 @!p0 s2, s14;
	s13 =	sand.u32 @!p0 $0x4000, s13  }
0x18: {  	[tilespmem:s13], [sflag:$0x1] =	stream.linear.gather @!p0 [hbm4b:s14+s15], $0x4000, $0x38;
	[tilespmem:$0x10000] =	vst v63  }
0x19: {  	p0 =	sge.u32 s31, s6  }
.Ltmp2:
0x1a: {  	_ = 	snop;
	(pc) =	sbr.rel @p0 .LBB1_9-.Ltmp2, $1  }
0x1b: {  	_ =	sdelay $0x3  }
0x1c: {  	s14 =	sand.u32 $0x4000, s9  }
0x1d: {  	_ =	swait.ge [sflag:s5], $0x4000;
	s15 =	sshll.u32 s11, $0xE;
	s16 =	simm.s32 $0x0  }
0x1e: {  	s13 =	sor.u32 $0x40, s14;
	[sflag:s5] =	ssyncset.done $0x0;
	s15 =	sand.u32 $0x4000, s15  }
0x1f: {  	s14 =	sor.u32 $0x8040, s14;
	[sflag:s5] =	ssyncadd.s32 $0xFFFFC000;
	s15 =	sor.u32 $0x8000, s15  }
.LBB1_3:
0x20: {  	s17 =	smov.u32 s14;
	s18 =	smov.u32 s13;
	s19 =	simm.s32 $0x0  }
.LBB1_4:
0x21: {  	v0 =	vmov s17;
	v2 =	vld [tilespmem:s18+$0x30]  }
0x22: {  	v4 =	vld [tilespmem:s18+$0xFFFFFFD0]  }
0x23: {  	v6 =	vld [tilespmem:s18+$0xFFFFFFE0]  }
0x24: {  	v7 =	vld [tilespmem:s18+$0xFFFFFFF0]  }
0x25: {  	s20 =	simm.s32 $0x0;
	v1 =	vld [tilespmem:s18+$0x0]  }
0x26: {  	v3 =	vld [tilespmem:s18+$0x10];
	[tilespmem:v0+s20+$0x30 ss:$0x1] =	vst.idx.msk $0xffff, v2  }
0x27: {  	v5 =	vld [tilespmem:s18+$0x20];
	[tilespmem:v0+s20+$0xFFFFFFD0 ss:$0x1] =	vst.idx.msk $0xffff, v4  }
0x28: {  	s21 =	sadd.s32 $0x80, s18;
	v2 =	vld [tilespmem:s18+$0xFFFFFFC0];
	[tilespmem:v0+s20+$0xFFFFFFE0 ss:$0x1] =	vst.idx.msk $0xffff, v6  }
0x29: {  	s22 =	simm.s32 $0x800;
	s23 =	simm.s32 $0x1000;
	v4 =	vld [tilespmem:s21+$0x30];
	[tilespmem:v0+s20+$0xFFFFFFF0 ss:$0x1] =	vst.idx.msk $0xffff, v7  }
.LBB1_5:
0x2a: {  	p0 =	sne.s32 s23, $0x3800;
	v6 =	vld [tilespmem:s21+$0xFFFFFFD0];
	[tilespmem:v0+s20+$0x0 ss:$0x1] =	vst.idx.msk $0xffff, v1  }
0x2b: {  	v7 =	vld [tilespmem:s21+$0xFFFFFFE0];
	[tilespmem:v0+s20+$0x10 ss:$0x1] =	vst.idx.msk $0xffff, v3  }
0x2c: {  	v8 =	vld [tilespmem:s21+$0xFFFFFFF0];
	[tilespmem:v0+s20+$0x20 ss:$0x1] =	vst.idx.msk $0xffff, v5  }
.Ltmp3:
0x2d: {  	v1 =	vld [tilespmem:s21+$0x0];
	[tilespmem:v0+s20+$0xFFFFFFC0 ss:$0x1] =	vst.idx.msk $0xffff, v2;
	s20 =	sshra.s32 s22, $0x2;
	s22 =	smov.u32 s23;
	(pc) =	sbr.rel @p0 .LBB1_5-.Ltmp3, $4  }
0x2e: {  	v3 =	vld [tilespmem:s21+$0x10];
	[tilespmem:v0+s20+$0x30 ss:$0x1] =	vst.idx.msk $0xffff, v4  }
0x2f: {  	[tilespmem:v0+s20+$0xFFFFFFD0 ss:$0x1] =	vst.idx.msk $0xffff, v6;
	v5 =	vld [tilespmem:s21+$0x20]  }
0x30: {  	v2 =	vld [tilespmem:s21+$0xFFFFFFC0];
	[tilespmem:v0+s20+$0xFFFFFFE0 ss:$0x1] =	vst.idx.msk $0xffff, v7;
	s21 =	sadd.s32 $0x80, s21  }
0x31: {  	s23 =	sadd.s32 $0x800, s23;
	v4 =	vld [tilespmem:s21+$0x30];
	[tilespmem:v0+s20+$0xFFFFFFF0 ss:$0x1] =	vst.idx.msk $0xffff, v8  }
0x32: {  	_ =	sdelay $0x3  }
0x33: {  	v6 =	vld [tilespmem:s21+$0xFFFFFFD0];
	[tilespmem:v0+s20+$0x0 ss:$0x1] =	vst.idx.msk $0xffff, v1  }
0x34: {  	v58 =	vld [tilespmem:s21+$0xFFFFFFE0];
	[tilespmem:v0+s20+$0x10 ss:$0x1] =	vst.idx.msk $0xffff, v3  }
0x35: {  	v59 =	vld [tilespmem:s21+$0xFFFFFFF0];
	[tilespmem:v0+s20+$0x20 ss:$0x1] =	vst.idx.msk $0xffff, v5  }
0x36: {  	s22 =	sshra.s32 s22, $0x2;
	v60 =	vld [tilespmem:s21+$0x0];
	[tilespmem:v0+s20+$0xFFFFFFC0 ss:$0x1] =	vst.idx.msk $0xffff, v2  }
0x37: {  	v61 =	vld [tilespmem:s21+$0x10];
	[tilespmem:v0+s22+$0x30 ss:$0x1] =	vst.idx.msk $0xffff, v4  }
0x38: {  	v62 =	vld [tilespmem:s21+$0x20];
	s19 =	sadd.s32 $0x1, s19;
	[tilespmem:v0+s22+$0xFFFFFFD0 ss:$0x1] =	vst.idx.msk $0xffff, v6  }
0x39: {  	v63 =	vld [tilespmem:s21+$0xFFFFFFC0];
	p0 =	sne.s32 s19, $0x4;
	[tilespmem:v0+s22+$0xFFFFFFE0 ss:$0x1] =	vst.idx.msk $0xffff, v58  }
.Ltmp4:
0x3a: {  	[tilespmem:v0+s22+$0xFFFFFFF0 ss:$0x1] =	vst.idx.msk $0xffff, v59;
	(pc) =	sbr.rel @p0 .LBB1_4-.Ltmp4, $4  }
0x3b: {  	[tilespmem:v0+s22+$0x0 ss:$0x1] =	vst.idx.msk $0xffff, v60  }
0x3c: {  	[tilespmem:v0+s22+$0x10 ss:$0x1] =	vst.idx.msk $0xffff, v61  }
0x3d: {  	[tilespmem:v0+s22+$0x20 ss:$0x1] =	vst.idx.msk $0xffff, v62  }
0x3e: {  	s18 =	sadd.s32 $0x400, s18;
	s17 =	sadd.s32 $0x80, s17;
	[tilespmem:v0+s22+$0xFFFFFFC0 ss:$0x1] =	vst.idx.msk $0xffff, v63  }
0x3f: {  	s16 =	sadd.s32 $0x1, s16  }
0x40: {  	p0 =	sne.s32 s16, $0x4  }
.Ltmp5:
0x41: {  	_ = 	snop;
	(pc) =	sbr.rel @p0 .LBB1_3-.Ltmp5, $2  }
0x42: {  	_ =	sdelay $0x2  }
0x43: {  	s13 =	sadd.s32 $0x1000, s13;
	s14 =	sadd.s32 $0x1000, s14  }
.Ltmp6:
0x44: {  	(pc) =	sbr.rel .LBB1_9-.Ltmp6, $4  }
0x45: {  	_ = 	snop  }
0x46: {  	s12 =	sshll.u32 s12, $0x9  }
0x47: {  	s12 =	sadd.s32 s4, s12  }
0x48: {  	[hbm4b:s12+s8] =	stream.linear.scatter [tilespmem:s15], [sflag:$0x2], $0x4000, $0x38;
	[tilespmem:$0x10000] =	vst v63  }
.LBB1_10:
0x49: {  	_ =	sfence.sel $0x180000  }
0x4a: {  	s2 =	simm.s32 $0x1;
	[bflag:$0x0] =	sbarrier.arrive $0xFFFF  }
0x4b: {  	s31 =	simm.s32 $0x2;
	[sflag:s2] =	ssyncpa.u1 $0x1  }
0x4c: {  	[sflag:s31] =	ssyncpa.u1 $0x1  }
0x4d: {  	p0 =	sne.s32 s0, $0x0;
	_ =	strace $0x9000004A  }
0x4e: {  	s0 =	sadd.s32 @!p0 $0x100000, s1;
	[bflag:$0x2] =	sbarrier.arrive $0xFFFF  }
0x4f: {  	[sflag:s0] =	ssyncadd.tile.s32 @!p0 $0x1;
	_ =	shalt  }
.Lfunc_end1:
_tile_overlayer_lowered:
.L_overlay_start_2:
0x50: {  	(tag) =	ssettag $0x2  }
0x51: {  	s0 =	rddreg [dreg:$0x0];
	s2 =	stileid.u32  }
0x52: {  	s1 =	rddreg [dreg:$0x1];
	p0 =	sne.s32 s2, $0x0  }
0x53: {  	s3 =	rddreg [dreg:$0x2];
	[bflag:$0x3] =	sbarrier.arrive $0xFFFF;
	s2 =	simm.s32 @!p0 $0x1C01  }
0x54: {  	[timem:s3], [sflag:s2] =	dma.local @!p0 [hbm:s0], s1  }
0x55: {  	s0 =	simm.s32 @!p0 $0x1  }
0x56: {  	_ =	swait.ge @!p0 [sflag:s0], s1  }
0x57: {  	s1 =	ssub.s32 @!p0 $0x0, s1;
	[sflag:s0] =	ssyncset.done @!p0 $0x0  }
0x58: {  	[sflag:s0] =	ssyncadd.s32 @!p0 s1  }
0x59: {  	[bflag:$0x3] =	sbarrier.arrive $0xFFFF  }
0x5a: {  	_ =	shalt  }

// kernel: sparse-core-data-format-call.2.cloned.1.call-start
scs
called_computation.2_lowered:
.L_overlay_start_0:
0x0: {  	s2 =	sld [smem:$0x3FD9]  }
0x1: {  	s3 =	sld [smem:$0x3FFE];
	_ =	sdelay $0x1  }
0x2: {  	s1 =	srdreg.scid  }
0x3: {  	s0 =	sand.u32 $0x1, s1  }
0x4: {  	s18 =	sshll.u32 s0, $0xA;
	s2 =	sadd.s32 s3, s2  }
0x5: {  	s2 =	sadd.s32 s2, s18  }
0x6: {  	[smem:$0x3FC5] =	sst s2  }
0x7: {  	_ = 	snop  }
0x8: {  	s2 =	sld [smem:$0x3FC8];
	(tm) =	ssettm $0x1  }
0x9: {  	s19 =	sld [smem:$0x3FFB];
	_ =	sdelay $0x3  }
0xa: {  	_ =	strace s19  }
0xb: {  	s3 =	sld [smem:$0x3FFC];
	_ =	sdelay $0x3  }
0xc: {  	_ =	strace s3  }
0xd: {  	s3 =	sld [smem:$0x3FFD];
	_ =	sdelay $0x3  }
0xe: {  	_ =	strace s3  }
0xf: {  	_ =	strace $0x8FFFFFFF  }
0x10: {  	s20 =	sld [smem:$0x3FDB];
	_ =	sdelay $0x1  }
0x11: {  	s4 =	simm.s32 $_scs_section_size  }
0x12: {  	s5 =	simm.s32 $_size__tile_overlayer_lowered;
	s6 =	simm.s32 $_tile_overlayer_lowered  }
0x13: {  	s23 =	simm.s32 $0x1BFF;
	s22 =	sshll.u32 s6, $0x1;
	s3 =	sadd.s32 s4, s20  }
0x14: {  	s7 =	simm.s32 $0x0;
	s21 =	sshll.u32 s5, $0x1;
	s5 =	sadd.s32 s22, s3  }
0x15: {  	[timem:s7], [sflag:s23] =	dma.local [hbm:s5], s21  }
0x16: {  	_ =	swait.ge [sflag:s23], s21  }
0x17: {  	s4 =	ssub.s32 $0x0, s21;
	[sflag:s23] =	ssyncset.done $0x0  }
0x18: {  	[sflag:s23] =	ssyncadd.s32 s4;
	_ =	sdelay $0x1  }
0x19: {  	s24 =	simm.s32 $0x1B8B  }
0x1a: {  	_ =	swait.ge [sflag:s24], $0x1  }
0x1b: {  	[sflag:s24] =	ssyncset.done $0x0  }
0x1c: {  	s26 =	simm.s32 $0x1B8E;
	s25 =	sld [smem:$0x3FFE];
	[sflag:s24] =	ssyncadd.s32 $0xFFFFFFFF  }
0x1d: {  	s27 =	simm.s32 $execute0_lowered;
	[smem:$0x3FD2] =	sst s26  }
0x1e: {  	s5 =	sshll.u32 s27, $0x1;
	_ =	strace $0x80000046;
	[dreg:$0x1] =	wrdreg $0xFFFFFFFF  }
0x1f: {  	s28 =	simm.s32 $_size_execute0_lowered;
	s3 =	sadd.s32 s3, s5;
	[dreg:$0x0] =	wrdreg $0x0  }
0x20: {  	s5 =	sshll.u32 s28, $0x1;
	[dreg:$0x2] =	wrdreg s3  }
0x21: {  	[dreg:$0x3] =	wrdreg s5  }
0x22: {  	[dreg:$0x4] =	wrdreg $0xC0  }
0x23: {  	_ =	task [dreg:s7], $0x5FFFF  }
0x24: {  	[dreg:$0x1] =	wrdreg $0xFFFFFFFF  }
0x25: {  	[dreg:$0x0] =	wrdreg $0x60  }
0x26: {  	[dreg:$0x2] =	wrdreg s2  }
0x27: {  	[dreg:$0x3] =	wrdreg s25  }
0x28: {  	[dreg:$0x4] =	wrdreg $0xA  }
0x29: {  	_ =	task.clear_ibuf [dreg:s7], $0x5FFFF;
	_ =	strace $0x90000046  }
0x2a: {  	s29 =	simm.s32 $0xA;
	_ =	strace $0x80000048  }
0x2b: {  	_ =	swait.ge [sflag:s29], $0x1  }
0x2c: {  	[sflag:s29] =	ssyncadd.s32 $0xFFFFFFFF  }
0x2d: {  	_ =	strace $0x90000048  }
0x2e: {  	_ =	sfence  }
0x2f: {  	s30 =	sld [smem:$0x0];
	_ =	sdelay $0x2  }
0x30: {  	s31 =	sshll.u32 s1, $0xD;
	s1 =	sshrl.u32 s1, $0x2  }
0x31: {  	s3 =	sand.u32 $0x4000, s31;
	s1 =	sadd.s32 s1, s30  }
0x32: {  	s0 =	sor.u32 s3, s0;
	s1 =	sshll.u32 s1, $0x11  }
0x33: {  	s0 =	sor.u32 s1, s0  }
0x34: {  	s0 =	sadd.s32 $0x8F2B, s0  }
0x35: {  	[sflag:s0] =	ssyncadd.remote.s32 $0x1  }
0x36: {  	_ =	sfence.sel $0xFFFF  }
0x37: {  	[dreg:$0x0] =	wrdreg $0xFFFFFFFF;
	(pc) =	sbr.abs _section_cstart, $3  }
0x38: {  	[dreg:$0x1] =	wrdreg $0xFFFFFFFF  }
0x39: {  	_ =	task.clear_ibuf [dreg:s7], $0x2FFFF;
	_ =	strace $0x9FFFFFFF  }
0x3a: {  	(tm) =	ssettm $0x7FFFFFFF  }
0x3b: {  	_ =	shalt  }
tec
execute0_lowered:
.L_overlay_start_1:
0x0: {  	(tag) =	ssettag $0x1  }
0x1: {  	s0 =	srdreg.scid  }
0x2: {  	s1 =	sshll.u32 s0, $0x4  }
0x3: {  	s2 =	rddreg [dreg:$0x0];
	s0 =	stileid.u32;
	s1 =	sand.u32 $0x10, s1  }
0x4: {  	s4 =	rddreg [dreg:$0x1];
	s7 =	simm.s32 $0x1;
	s1 =	sor.u32 s0, s1  }
0x5: {  	s8 =	simm.s32 $0x2;
	s9 =	simm.s32 $0x0;
	s3 =	sshll.u32 s1, $0x2  }
0x6: {  	s12 =	simm.s32 $0x0;
	s11 =	simm.s32 $0x0;
	s6 =	ssub.s32 $0x800, s3  }
.Ltmp0:
0x7: {  	s4 =	sadd.s32 $0x1600, s4;
	s5 =	sand.u32 $0x7C, s6;
	(pc) =	sbr.rel .LBB1_1-.Ltmp0, $4  }
0x8: {  	s1 =	rddreg [dreg:$0x2];
	_ =	strace $0x80000047;
	p0 =	sne.s32 s5, $0x0  }
0x9: {  	s6 =	sshrl.u32 s6, $0x7;
	s5 =	simm.s32 $0x1;
	s7 =	simm.s32 @!p0 $0x0  }
0xa: {  	s10 =	smov.u32 s3;
	[sflag:s5] =	ssyncpa.u1 $0x0;
	s6 =	sadd.s32 s7, s6  }
0xb: {  	[sflag:s8] =	ssyncpa.u1 $0x0;
	s8 =	simm.s32 $0x0;
	s7 =	sadd.s32 $0x1, s6  }
.LBB1_9:
0xc: {  	s14 =	sadd.s32 $0x80, s10  }
0xd: {  	p1 =	sgt.s32 s14, $0x7FF  }
0xe: {  	s14 =	smov.u32 @p1 s3;
	p1 =	sne.s32 s11, s7  }
.Ltmp1:
0xf: {  	p0 =	slt.u32 s11, $0x2;
	(pc) =	sbr.rel @!p1 .LBB1_10-.Ltmp1, $4  }
0x10: {  	s13 =	simm.s32 @!p0 $0x2  }
0x11: {  	s15 =	sadd.s32 $0x1, s11;
	_ =	swait.ge @!p0 [sflag:s13], $0x4000  }
0x12: {  	s12 =	smov.u32 s10;
	s9 =	sadd.s32 $0x4000, s9;
	[sflag:s13] =	ssyncset.done @!p0 $0x0  }
0x13: {  	s11 =	smov.u32 s15;
	s10 =	smov.u32 s14;
	[sflag:s13] =	ssyncadd.s32 @!p0 $0xFFFFC000  }
.LBB1_1:
0x14: {  	p0 =	sge.u32 s11, s6  }
0x15: {  	s13 =	sxor.u32 @!p0 $0xFFFFFFFF, s11  }
0x16: {  	s31 =	sadd.s32 $0xFFFFFFFF, s11;
	s14 =	sshll.u32 @!p0 s10, $0x9;
	s13 =	sshll.u32 @!p0 s13, $0xE  }
0x17: {  	s15 =	simm.s32 @!p0 $0x0;
	s14 =	sadd.s32 @!p0 s2, s14;
	s13 =	sand.u32 @!p0 $0x4000, s13  }
0x18: {  	[tilespmem:s13], [sflag:$0x1] =	stream.linear.gather @!p0 [hbm4b:s14+s15], $0x4000, $0x38;
	[tilespmem:$0x10000] =	vst v63  }
0x19: {  	p0 =	sge.u32 s31, s6  }
.Ltmp2:
0x1a: {  	_ = 	snop;
	(pc) =	sbr.rel @p0 .LBB1_9-.Ltmp2, $1  }
0x1b: {  	_ =	sdelay $0x3  }
0x1c: {  	s14 =	sand.u32 $0x4000, s9  }
0x1d: {  	_ =	swait.ge [sflag:s5], $0x4000;
	s15 =	sshll.u32 s11, $0xE;
	s16 =	simm.s32 $0x0  }
0x1e: {  	s13 =	sor.u32 $0x40, s14;
	[sflag:s5] =	ssyncset.done $0x0;
	s15 =	sand.u32 $0x4000, s15  }
0x1f: {  	s14 =	sor.u32 $0x8040, s14;
	[sflag:s5] =	ssyncadd.s32 $0xFFFFC000;
	s15 =	sor.u32 $0x8000, s15  }
.LBB1_3:
0x20: {  	s17 =	smov.u32 s14;
	s18 =	smov.u32 s13;
	s19 =	simm.s32 $0x0  }
.LBB1_4:
0x21: {  	v0 =	vmov s17;
	v2 =	vld [tilespmem:s18+$0x30]  }
0x22: {  	v4 =	vld [tilespmem:s18+$0xFFFFFFD0]  }
0x23: {  	v6 =	vld [tilespmem:s18+$0xFFFFFFE0]  }
0x24: {  	v7 =	vld [tilespmem:s18+$0xFFFFFFF0]  }
0x25: {  	s20 =	simm.s32 $0x0;
	v1 =	vld [tilespmem:s18+$0x0]  }
0x26: {  	v3 =	vld [tilespmem:s18+$0x10];
	[tilespmem:v0+s20+$0x30 ss:$0x1] =	vst.idx.msk $0xffff, v2  }
0x27: {  	v5 =	vld [tilespmem:s18+$0x20];
	[tilespmem:v0+s20+$0xFFFFFFD0 ss:$0x1] =	vst.idx.msk $0xffff, v4  }
0x28: {  	s21 =	sadd.s32 $0x80, s18;
	v2 =	vld [tilespmem:s18+$0xFFFFFFC0];
	[tilespmem:v0+s20+$0xFFFFFFE0 ss:$0x1] =	vst.idx.msk $0xffff, v6  }
0x29: {  	s22 =	simm.s32 $0x800;
	s23 =	simm.s32 $0x1000;
	v4 =	vld [tilespmem:s21+$0x30];
	[tilespmem:v0+s20+$0xFFFFFFF0 ss:$0x1] =	vst.idx.msk $0xffff, v7  }
.LBB1_5:
0x2a: {  	p0 =	sne.s32 s23, $0x3800;
	v6 =	vld [tilespmem:s21+$0xFFFFFFD0];
	[tilespmem:v0+s20+$0x0 ss:$0x1] =	vst.idx.msk $0xffff, v1  }
0x2b: {  	v7 =	vld [tilespmem:s21+$0xFFFFFFE0];
	[tilespmem:v0+s20+$0x10 ss:$0x1] =	vst.idx.msk $0xffff, v3  }
0x2c: {  	v8 =	vld [tilespmem:s21+$0xFFFFFFF0];
	[tilespmem:v0+s20+$0x20 ss:$0x1] =	vst.idx.msk $0xffff, v5  }
.Ltmp3:
0x2d: {  	v1 =	vld [tilespmem:s21+$0x0];
	[tilespmem:v0+s20+$0xFFFFFFC0 ss:$0x1] =	vst.idx.msk $0xffff, v2;
	s20 =	sshra.s32 s22, $0x2;
	s22 =	smov.u32 s23;
	(pc) =	sbr.rel @p0 .LBB1_5-.Ltmp3, $4  }
0x2e: {  	v3 =	vld [tilespmem:s21+$0x10];
	[tilespmem:v0+s20+$0x30 ss:$0x1] =	vst.idx.msk $0xffff, v4  }
0x2f: {  	[tilespmem:v0+s20+$0xFFFFFFD0 ss:$0x1] =	vst.idx.msk $0xffff, v6;
	v5 =	vld [tilespmem:s21+$0x20]  }
0x30: {  	v2 =	vld [tilespmem:s21+$0xFFFFFFC0];
	[tilespmem:v0+s20+$0xFFFFFFE0 ss:$0x1] =	vst.idx.msk $0xffff, v7;
	s21 =	sadd.s32 $0x80, s21  }
0x31: {  	s23 =	sadd.s32 $0x800, s23;
	v4 =	vld [tilespmem:s21+$0x30];
	[tilespmem:v0+s20+$0xFFFFFFF0 ss:$0x1] =	vst.idx.msk $0xffff, v8  }
0x32: {  	_ =	sdelay $0x3  }
0x33: {  	v6 =	vld [tilespmem:s21+$0xFFFFFFD0];
	[tilespmem:v0+s20+$0x0 ss:$0x1] =	vst.idx.msk $0xffff, v1  }
0x34: {  	v58 =	vld [tilespmem:s21+$0xFFFFFFE0];
	[tilespmem:v0+s20+$0x10 ss:$0x1] =	vst.idx.msk $0xffff, v3  }
0x35: {  	v59 =	vld [tilespmem:s21+$0xFFFFFFF0];
	[tilespmem:v0+s20+$0x20 ss:$0x1] =	vst.idx.msk $0xffff, v5  }
0x36: {  	s22 =	sshra.s32 s22, $0x2;
	v60 =	vld [tilespmem:s21+$0x0];
	[tilespmem:v0+s20+$0xFFFFFFC0 ss:$0x1] =	vst.idx.msk $0xffff, v2  }
0x37: {  	v61 =	vld [tilespmem:s21+$0x10];
	[tilespmem:v0+s22+$0x30 ss:$0x1] =	vst.idx.msk $0xffff, v4  }
0x38: {  	v62 =	vld [tilespmem:s21+$0x20];
	s19 =	sadd.s32 $0x1, s19;
	[tilespmem:v0+s22+$0xFFFFFFD0 ss:$0x1] =	vst.idx.msk $0xffff, v6  }
0x39: {  	v63 =	vld [tilespmem:s21+$0xFFFFFFC0];
	p0 =	sne.s32 s19, $0x4;
	[tilespmem:v0+s22+$0xFFFFFFE0 ss:$0x1] =	vst.idx.msk $0xffff, v58  }
.Ltmp4:
0x3a: {  	[tilespmem:v0+s22+$0xFFFFFFF0 ss:$0x1] =	vst.idx.msk $0xffff, v59;
	(pc) =	sbr.rel @p0 .LBB1_4-.Ltmp4, $4  }
0x3b: {  	[tilespmem:v0+s22+$0x0 ss:$0x1] =	vst.idx.msk $0xffff, v60  }
0x3c: {  	[tilespmem:v0+s22+$0x10 ss:$0x1] =	vst.idx.msk $0xffff, v61  }
0x3d: {  	[tilespmem:v0+s22+$0x20 ss:$0x1] =	vst.idx.msk $0xffff, v62  }
0x3e: {  	s18 =	sadd.s32 $0x400, s18;
	s17 =	sadd.s32 $0x80, s17;
	[tilespmem:v0+s22+$0xFFFFFFC0 ss:$0x1] =	vst.idx.msk $0xffff, v63  }
0x3f: {  	s16 =	sadd.s32 $0x1, s16  }
0x40: {  	p0 =	sne.s32 s16, $0x4  }
.Ltmp5:
0x41: {  	_ = 	snop;
	(pc) =	sbr.rel @p0 .LBB1_3-.Ltmp5, $2  }
0x42: {  	_ =	sdelay $0x2  }
0x43: {  	s13 =	sadd.s32 $0x1000, s13;
	s14 =	sadd.s32 $0x1000, s14  }
.Ltmp6:
0x44: {  	(pc) =	sbr.rel .LBB1_9-.Ltmp6, $4  }
0x45: {  	_ = 	snop  }
0x46: {  	s12 =	sshll.u32 s12, $0x9  }
0x47: {  	s12 =	sadd.s32 s4, s12  }
0x48: {  	[hbm4b:s12+s8] =	stream.linear.scatter [tilespmem:s15], [sflag:$0x2], $0x4000, $0x38;
	[tilespmem:$0x10000] =	vst v63  }
.LBB1_10:
0x49: {  	_ =	sfence.sel $0x180000  }
0x4a: {  	s2 =	simm.s32 $0x1;
	[bflag:$0x0] =	sbarrier.arrive $0xFFFF  }
0x4b: {  	s31 =	simm.s32 $0x2;
	[sflag:s2] =	ssyncpa.u1 $0x1  }
0x4c: {  	[sflag:s31] =	ssyncpa.u1 $0x1  }
0x4d: {  	p0 =	sne.s32 s0, $0x0;
	_ =	strace $0x90000047  }
0x4e: {  	s0 =	sadd.s32 @!p0 $0x100000, s1;
	[bflag:$0x2] =	sbarrier.arrive $0xFFFF  }
0x4f: {  	[sflag:s0] =	ssyncadd.tile.s32 @!p0 $0x1;
	_ =	shalt  }
.Lfunc_end1:
_tile_overlayer_lowered:
.L_overlay_start_2:
0x50: {  	(tag) =	ssettag $0x2  }
0x51: {  	s0 =	rddreg [dreg:$0x0];
	s2 =	stileid.u32  }
0x52: {  	s1 =	rddreg [dreg:$0x1];
	p0 =	sne.s32 s2, $0x0  }
0x53: {  	s3 =	rddreg [dreg:$0x2];
	[bflag:$0x3] =	sbarrier.arrive $0xFFFF;
	s2 =	simm.s32 @!p0 $0x1C01  }
0x54: {  	[timem:s3], [sflag:s2] =	dma.local @!p0 [hbm:s0], s1  }
0x55: {  	s0 =	simm.s32 @!p0 $0x1  }
0x56: {  	_ =	swait.ge @!p0 [sflag:s0], s1  }
0x57: {  	s1 =	ssub.s32 @!p0 $0x0, s1;
	[sflag:s0] =	ssyncset.done @!p0 $0x0  }
0x58: {  	[sflag:s0] =	ssyncadd.s32 @!p0 s1  }
0x59: {  	[bflag:$0x3] =	sbarrier.arrive $0xFFFF  }
0x5a: {  	_ =	shalt  }

// kernel: sparse-core-data-format-call.cloned.1.call-start
scs
called_computation_lowered:
.L_overlay_start_0:
0x0: {  	s2 =	sld [smem:$0x3FD9]  }
0x1: {  	s3 =	sld [smem:$0x3FFE];
	_ =	sdelay $0x1  }
0x2: {  	s1 =	srdreg.scid  }
0x3: {  	s0 =	sand.u32 $0x1, s1  }
0x4: {  	s15 =	sshll.u32 s0, $0xA;
	s2 =	sadd.s32 s3, s2  }
0x5: {  	s2 =	sadd.s32 s2, s15  }
0x6: {  	[smem:$0x3FC5] =	sst s2  }
0x7: {  	_ = 	snop  }
0x8: {  	s2 =	sld [smem:$0x3FD0];
	_ =	sdelay $0x2  }
0x9: {  	s16 =	simm.s32 $0xB;
	s4 =	simm.s32 $0x10  }
0xa: {  	[smem:s4], [sflag:s16] =	dma.local [hbm:s2], $0x1  }
0xb: {  	_ =	swait.eq [sflag:s16], $0x1  }
0xc: {  	[sflag:s16] =	ssyncset.done $0x0  }
0xd: {  	[sflag:s16] =	ssyncadd.s32 $0xFFFFFFFF  }
0xe: {  	s17 =	sld [smem:$0x10];
	(tm) =	ssettm $0x1  }
0xf: {  	s18 =	sld [smem:$0x3FFB];
	_ =	sdelay $0x3  }
0x10: {  	_ =	strace s18  }
0x11: {  	s3 =	sld [smem:$0x3FFC];
	_ =	sdelay $0x3  }
0x12: {  	_ =	strace s3  }
0x13: {  	s3 =	sld [smem:$0x3FFD];
	_ =	sdelay $0x3  }
0x14: {  	_ =	strace s3  }
0x15: {  	_ =	strace $0x8FFFFFFF  }
0x16: {  	s19 =	sld [smem:$0x3FDB];
	_ =	sdelay $0x1  }
0x17: {  	s20 =	simm.s32 $_scs_section_size  }
0x18: {  	s5 =	simm.s32 $_size__tile_overlayer_lowered;
	s6 =	simm.s32 $_tile_overlayer_lowered  }
0x19: {  	s23 =	simm.s32 $0x1BFF;
	s22 =	sshll.u32 s6, $0x1;
	s3 =	sadd.s32 s20, s19  }
0x1a: {  	s7 =	simm.s32 $0x0;
	s21 =	sshll.u32 s5, $0x1;
	s5 =	sadd.s32 s22, s3  }
0x1b: {  	[timem:s7], [sflag:s23] =	dma.local [hbm:s5], s21  }
0x1c: {  	_ =	swait.ge [sflag:s23], s21  }
0x1d: {  	s4 =	ssub.s32 $0x0, s21;
	[sflag:s23] =	ssyncset.done $0x0  }
0x1e: {  	[sflag:s23] =	ssyncadd.s32 s4;
	_ =	sdelay $0x1  }
0x1f: {  	s24 =	simm.s32 $0x1B8B  }
0x20: {  	_ =	swait.ge [sflag:s24], $0x1  }
0x21: {  	[sflag:s24] =	ssyncset.done $0x0  }
0x22: {  	s26 =	simm.s32 $0x1B8E;
	s25 =	sld [smem:$0x3FFE];
	[sflag:s24] =	ssyncadd.s32 $0xFFFFFFFF  }
0x23: {  	s27 =	simm.s32 $execute0_lowered;
	[smem:$0x3FD2] =	sst s26  }
0x24: {  	s5 =	sshll.u32 s27, $0x1;
	_ =	strace $0x8000004F;
	[dreg:$0x1] =	wrdreg $0xFFFFFFFF  }
0x25: {  	s28 =	simm.s32 $_size_execute0_lowered;
	s3 =	sadd.s32 s3, s5;
	[dreg:$0x0] =	wrdreg $0x0  }
0x26: {  	s5 =	sshll.u32 s28, $0x1;
	[dreg:$0x2] =	wrdreg s3  }
0x27: {  	[dreg:$0x3] =	wrdreg s5  }
0x28: {  	[dreg:$0x4] =	wrdreg $0xC0  }
0x29: {  	_ =	task [dreg:s7], $0x5FFFF  }
0x2a: {  	[dreg:$0x1] =	wrdreg $0xFFFFFFFF  }
0x2b: {  	[dreg:$0x0] =	wrdreg $0x60  }
0x2c: {  	[dreg:$0x2] =	wrdreg s25  }
0x2d: {  	[dreg:$0x3] =	wrdreg s17  }
0x2e: {  	[dreg:$0x4] =	wrdreg $0x9  }
0x2f: {  	_ =	task.clear_ibuf [dreg:s7], $0x5FFFF;
	_ =	strace $0x9000004F  }
0x30: {  	s29 =	simm.s32 $0x9;
	_ =	strace $0x80000051  }
0x31: {  	_ =	swait.ge [sflag:s29], $0x1  }
0x32: {  	[sflag:s29] =	ssyncadd.s32 $0xFFFFFFFF  }
0x33: {  	_ =	strace $0x90000051  }
0x34: {  	_ =	sfence  }
0x35: {  	s30 =	sld [smem:$0x0];
	_ =	sdelay $0x2  }
0x36: {  	s31 =	sshll.u32 s1, $0xD;
	s1 =	sshrl.u32 s1, $0x2  }
0x37: {  	s3 =	sand.u32 $0x4000, s31;
	s1 =	sadd.s32 s1, s30  }
0x38: {  	s0 =	sor.u32 s3, s0;
	s1 =	sshll.u32 s1, $0x11  }
0x39: {  	s0 =	sor.u32 s1, s0  }
0x3a: {  	s0 =	sadd.s32 $0x8F2B, s0  }
0x3b: {  	[sflag:s0] =	ssyncadd.remote.s32 $0x1  }
0x3c: {  	_ =	sfence.sel $0xFFFF  }
0x3d: {  	[dreg:$0x0] =	wrdreg $0xFFFFFFFF;
	(pc) =	sbr.abs _section_cstart, $3  }
0x3e: {  	[dreg:$0x1] =	wrdreg $0xFFFFFFFF  }
0x3f: {  	_ =	task.clear_ibuf [dreg:s7], $0x2FFFF;
	_ =	strace $0x9FFFFFFF  }
0x40: {  	(tm) =	ssettm $0x7FFFFFFF  }
0x41: {  	_ =	shalt  }
tec
execute0_lowered:
.L_overlay_start_1:
0x0: {  	(tag) =	ssettag $0x1  }
0x1: {  	s0 =	srdreg.scid  }
0x2: {  	s1 =	sshll.u32 s0, $0x4  }
0x3: {  	s8 =	rddreg [dreg:$0x0];
	s0 =	stileid.u32;
	s1 =	sand.u32 $0x10, s1  }
0x4: {  	s3 =	rddreg [dreg:$0x1];
	s29 =	sshll.u32 s0, $0x7;
	s7 =	sor.u32 s0, s1  }
0x5: {  	s30 =	simm.s32 $0x2;
	s1 =	sand.u32 $0x380, s29;
	s2 =	sshll.u32 s7, $0x4  }
0x6: {  	s18 =	simm.s32 $0x0;
	s4 =	ssub.s32 $0x400, s1;
	s2 =	sand.u32 $0x180, s2  }
0x7: {  	s11 =	simm.s32 $0x1000;
	s5 =	sand.u32 $0x380, s4;
	s6 =	ssub.s32 $0x200, s2  }
0x8: {  	p0 =	sne.s32 s5, $0x0;
	s5 =	simm.s32 $0x1;
	s9 =	sand.u32 $0x180, s6  }
0x9: {  	s5 =	simm.s32 @!p0 $0x0;
	p0 =	sne.s32 s9, $0x0;
	s9 =	simm.s32 $0x1  }
0xa: {  	s10 =	sshrl.u32 s4, $0xA;
	s6 =	sshrl.u32 s6, $0x9;
	s9 =	simm.s32 @!p0 $0x0  }
0xb: {  	s12 =	simm.s32 $0x0;
	s10 =	sadd.s32 s5, s10;
	s6 =	sadd.s32 s9, s6  }
0xc: {  	s16 =	simm.s32 $0x0;
	s17 =	simm.s32 $0x0;
	s6 =	smul.u32 s6, s10  }
.Ltmp0:
0xd: {  	s13 =	simm.s32 $0x0;
	s15 =	simm.s32 $0x0;
	(pc) =	sbr.rel .LBB1_1-.Ltmp0, $4  }
0xe: {  	s31 =	sshll.u32 s7, $0x7;
	s7 =	sadd.s32 $0x1600, s8;
	s4 =	rddreg [dreg:$0x2]  }
0xf: {  	_ =	strace $0x80000050;
	s5 =	simm.s32 $0x1;
	s6 =	smul.u32 $0x4D, s6  }
0x10: {  	s14 =	smov.u32 s1;
	s8 =	sand.u32 $0xC00, s31;
	[sflag:s5] =	ssyncpa.u1 $0x0  }
0x11: {  	[sflag:s30] =	ssyncpa.u1 $0x0;
	s10 =	simm.s32 $0x400;
	s9 =	sadd.s32 $0x1, s6  }
.LBB1_4:
0x12: {  	_ =	sdelay $0x3  }
0x13: {  	[tilespmem:v0+s21+$0xFFFFFFD0 ss:$0x1] =	vst.idx.msk $0xffff, v6  }
0x14: {  	v56 =	vld.idx.msk [tilespmem:v1+s20+$0x0 ss:$0x1], $0xffff;
	[tilespmem:v0+s21+$0xFFFFFFE0 ss:$0x1] =	vst.idx.msk $0xffff, v4  }
0x15: {  	v57 =	vld.idx.msk [tilespmem:v1+s20+$0xFFFFFF90 ss:$0x1], $0xffff;
	[tilespmem:v0+s21+$0xFFFFFFF0 ss:$0x1] =	vst.idx.msk $0xffff, v2  }
0x16: {  	v58 =	vld.idx.msk [tilespmem:v1+s20+$0xFFFFFFA0 ss:$0x1], $0xffff;
	[tilespmem:v0+s21+$0x0 ss:$0x1] =	vst.idx.msk $0xffff, v3  }
0x17: {  	v59 =	vld.idx.msk [tilespmem:v1+s20+$0xFFFFFFB0 ss:$0x1], $0xffff;
	[tilespmem:v0+s21+$0x10 ss:$0x1] =	vst.idx.msk $0xffff, v5  }
0x18: {  	v60 =	vld.idx.msk [tilespmem:v1+s20+$0xFFFFFFC0 ss:$0x1], $0xffff;
	[tilespmem:v0+s21+$0x20 ss:$0x1] =	vst.idx.msk $0xffff, v7  }
0x19: {  	v61 =	vld.idx.msk [tilespmem:v1+s20+$0xFFFFFFD0 ss:$0x1], $0xffff;
	[tilespmem:v0+s20+$0x30 ss:$0x1] =	vst.idx.msk $0xffff, v56  }
0x1a: {  	v62 =	vld.idx.msk [tilespmem:v1+s20+$0xFFFFFFE0 ss:$0x1], $0xffff;
	s29 =	sshll.u32 s17, $0x9;
	[tilespmem:v0+s20+$0xFFFFFFC0 ss:$0x1] =	vst.idx.msk $0xffff, v57  }
0x1b: {  	v63 =	vld.idx.msk [tilespmem:v1+s20+$0xFFFFFFF0 ss:$0x1], $0xffff;
	s18 =	sshll.u32 s18, $0x3;
	s22 =	sshll.u32 s17, $0x7;
	s21 =	sand.u32 $0x7F000, s29;
	[tilespmem:v0+s20+$0xFFFFFFD0 ss:$0x1] =	vst.idx.msk $0xffff, v58  }
0x1c: {  	s30 =	sand.u32 $0x200, s22;
	s18 =	sor.u32 s21, s18;
	[tilespmem:v0+s20+$0xFFFFFFE0 ss:$0x1] =	vst.idx.msk $0xffff, v59  }
0x1d: {  	s16 =	sshll.u32 s16, $0x10;
	s31 =	sshll.u32 s17, $0x4;
	s18 =	sor.u32 s30, s18;
	[tilespmem:v0+s20+$0xFFFFFFF0 ss:$0x1] =	vst.idx.msk $0xffff, v60  }
0x1e: {  	s17 =	sand.u32 $0x30, s31;
	s16 =	sadd.s32 s3, s16;
	s18 =	sshrl.u32 s18, $0x3;
	[tilespmem:v0+s20+$0x0 ss:$0x1] =	vst.idx.msk $0xffff, v61  }
0x1f: {  	s16 =	sadd.s32 s17, s16;
	[tilespmem:v0+s20+$0x10 ss:$0x1] =	vst.idx.msk $0xffff, v62;
	s18 =	sand.u32 $0xFFC0, s18  }
0x20: {  	[tilespmem:v0+s20+$0x20 ss:$0x1] =	vst.idx.msk $0xffff, v63;
	s16 =	sadd.s32 s18, s16  }
0x21: {  	[hbm4b:s16+s10] =	stream.strided.scatter [tilespmem:s19], [sflag:$0x2], $0x4000, s11, s10, $0x38;
	[tilespmem:$0x10000] =	vst v63  }
.LBB1_5:
0x22: {  	s19 =	sadd.s32 $0x1, s13  }
0x23: {  	s16 =	sadd.s32 $0x400, s14;
	s20 =	smov.u32 s14;
	p1 =	sgt.s32 s19, $0x4C  }
0x24: {  	s20 =	smov.u32 @p1 s16  }
0x25: {  	s19 =	simm.s32 @p1 $0x0;
	p1 =	sgt.s32 s20, $0x3FF  }
0x26: {  	s20 =	smov.u32 @p1 s1;
	p1 =	sne.s32 s15, s9  }
.Ltmp1:
0x27: {  	p0 =	slt.u32 s15, $0x2;
	(pc) =	sbr.rel @!p1 .LBB1_6-.Ltmp1, $4  }
0x28: {  	s17 =	smov.u32 s14;
	s18 =	simm.s32 @!p0 $0x2  }
0x29: {  	s12 =	sadd.s32 $0x4000, s12;
	_ =	swait.ge @!p0 [sflag:s18], $0x4000;
	s16 =	smov.u32 s13  }
0x2a: {  	[sflag:s18] =	ssyncset.done @!p0 $0x0;
	s13 =	smov.u32 s19;
	s15 =	sadd.s32 $0x1, s15  }
0x2b: {  	[sflag:s18] =	ssyncadd.s32 @!p0 $0xFFFFC000;
	s18 =	smov.u32 s2;
	s14 =	smov.u32 s20  }
.LBB1_1:
0x2c: {  	p0 =	sge.u32 s15, s6  }
0x2d: {  	s19 =	sshll.u32 @!p0 s13, $0x9  }
0x2e: {  	s20 =	sshll.u32 @!p0 s13, $0x7;
	s19 =	sand.u32 @!p0 $0xFFFFF000, s19  }
0x2f: {  	s20 =	sand.u32 @!p0 $0x200, s20;
	s19 =	sor.u32 @!p0 s8, s19  }
0x30: {  	s19 =	sor.u32 @!p0 s20, s19  }
0x31: {  	s19 =	sshrl.u32 @!p0 s19, $0x9  }
0x32: {  	s20 =	smulhi.u32 @!p0 $0x3333334, s19;
	_ =	sdelay $0x1  }
0x33: {  	s20 =	smul.u32 @!p0 $0x50, s20  }
0x34: {  	s31 =	sadd.s32 $0xFFFFFFFF, s15;
	s21 =	smul.u32 @!p0 $0x1400, s14  }
0x35: {  	s22 =	sxor.u32 @!p0 $0xFFFFFFFF, s15;
	s19 =	ssub.s32 @!p0 s19, s20;
	s20 =	sshll.u32 @!p0 s13, $0x4  }
0x36: {  	s22 =	sshll.u32 @!p0 s22, $0xE;
	s21 =	sadd.s32 @!p0 s7, s21;
	s20 =	sand.u32 @!p0 $0x30, s20  }
0x37: {  	s22 =	sand.u32 @!p0 $0x4000, s22;
	s19 =	sshll.u32 @!p0 s19, $0x6;
	s20 =	sadd.s32 @!p0 s20, s21  }
0x38: {  	s21 =	simm.s32 @!p0 $0xA000;
	s19 =	sadd.s32 @!p0 s19, s20;
	s20 =	simm.s32 @!p0 $0x80  }
0x39: {  	[tilespmem:s22], [sflag:$0x1] =	stream.strided.gather @!p0 [hbm4b:s19+s20], $0x4000, s21, s20, $0x38;
	[tilespmem:$0x10000] =	vst v63  }
0x3a: {  	p0 =	sge.u32 s31, s6  }
.Ltmp2:
0x3b: {  	_ = 	snop;
	(pc) =	sbr.rel @p0 .LBB1_5-.Ltmp2, $1  }
0x3c: {  	_ =	sdelay $0x3  }
0x3d: {  	s19 =	sand.u32 $0x4000, s12  }
0x3e: {  	s20 =	sor.u32 $0x70, s19  }
0x3f: {  	v1 =	vmov s20;
	_ =	sdelay $0x1  }
0x40: {  	_ =	swait.ge [sflag:s5], $0x4000  }
0x41: {  	[sflag:s5] =	ssyncset.done $0x0  }
0x42: {  	s21 =	simm.s32 $0x0;
	[sflag:s5] =	ssyncadd.s32 $0xFFFFC000  }
0x43: {  	s19 =	sor.u32 $0x8040, s19;
	v7 =	vld.idx.msk [tilespmem:v1+s21+$0x0 ss:$0x1], $0xffff  }
0x44: {  	v0 =	vmov s19;
	v8 =	vld.idx.msk [tilespmem:v1+s21+$0xFFFFFF90 ss:$0x1], $0xffff  }
0x45: {  	v6 =	vld.idx.msk [tilespmem:v1+s21+$0xFFFFFFA0 ss:$0x1], $0xffff  }
0x46: {  	v4 =	vld.idx.msk [tilespmem:v1+s21+$0xFFFFFFB0 ss:$0x1], $0xffff  }
0x47: {  	v2 =	vld.idx.msk [tilespmem:v1+s21+$0xFFFFFFC0 ss:$0x1], $0xffff  }
0x48: {  	s31 =	sshll.u32 s15, $0xE;
	v3 =	vld.idx.msk [tilespmem:v1+s21+$0xFFFFFFD0 ss:$0x1], $0xffff  }
0x49: {  	s19 =	sand.u32 $0x4000, s31;
	v5 =	vld.idx.msk [tilespmem:v1+s21+$0xFFFFFFE0 ss:$0x1], $0xffff;
	[tilespmem:v0+s21+$0x30 ss:$0x1] =	vst.idx.msk $0xffff, v7  }
0x4a: {  	s22 =	simm.s32 $0x400;
	s20 =	simm.s32 $0x80;
	s19 =	sor.u32 $0x8000, s19;
	[tilespmem:v0+s21+$0xFFFFFFC0 ss:$0x1] =	vst.idx.msk $0xffff, v8;
	v7 =	vld.idx.msk [tilespmem:v1+s21+$0xFFFFFFF0 ss:$0x1], $0xffff  }
.LBB1_3:
0x4b: {  	p0 =	sne.s32 s22, $0xFE00;
	v8 =	vld.idx.msk [tilespmem:v1+s20+$0x0 ss:$0x1], $0xffff;
	[tilespmem:v0+s21+$0xFFFFFFD0 ss:$0x1] =	vst.idx.msk $0xffff, v6  }
0x4c: {  	v9 =	vld.idx.msk [tilespmem:v1+s20+$0xFFFFFF90 ss:$0x1], $0xffff;
	[tilespmem:v0+s21+$0xFFFFFFE0 ss:$0x1] =	vst.idx.msk $0xffff, v4  }
0x4d: {  	v6 =	vld.idx.msk [tilespmem:v1+s20+$0xFFFFFFA0 ss:$0x1], $0xffff;
	[tilespmem:v0+s21+$0xFFFFFFF0 ss:$0x1] =	vst.idx.msk $0xffff, v2  }
.Ltmp3:
0x4e: {  	v4 =	vld.idx.msk [tilespmem:v1+s20+$0xFFFFFFB0 ss:$0x1], $0xffff;
	[tilespmem:v0+s21+$0x0 ss:$0x1] =	vst.idx.msk $0xffff, v3;
	(pc) =	sbr.rel @p0 .LBB1_3-.Ltmp3, $4  }
0x4f: {  	v2 =	vld.idx.msk [tilespmem:v1+s20+$0xFFFFFFC0 ss:$0x1], $0xffff;
	[tilespmem:v0+s21+$0x10 ss:$0x1] =	vst.idx.msk $0xffff, v5  }
0x50: {  	v3 =	vld.idx.msk [tilespmem:v1+s20+$0xFFFFFFD0 ss:$0x1], $0xffff;
	[tilespmem:v0+s21+$0x20 ss:$0x1] =	vst.idx.msk $0xffff, v7;
	s21 =	smov.u32 s20  }
0x51: {  	v5 =	vld.idx.msk [tilespmem:v1+s21+$0xFFFFFFE0 ss:$0x1], $0xffff;
	[tilespmem:v0+s21+$0x30 ss:$0x1] =	vst.idx.msk $0xffff, v8  }
0x52: {  	s20 =	sshra.s32 s22, $0x2;
	s22 =	sadd.s32 $0x200, s22;
	[tilespmem:v0+s21+$0xFFFFFFC0 ss:$0x1] =	vst.idx.msk $0xffff, v9;
	v7 =	vld.idx.msk [tilespmem:v1+s21+$0xFFFFFFF0 ss:$0x1], $0xffff  }
.Ltmp4:
0x53: {  	_ = 	snop;
	(pc) =	sbr.rel .LBB1_4-.Ltmp4, $1  }
0x54: {  	_ =	sdelay $0x3  }
.LBB1_6:
0x55: {  	_ =	sfence.sel $0x180000  }
0x56: {  	s1 =	simm.s32 $0x1;
	[bflag:$0x0] =	sbarrier.arrive $0xFFFF  }
0x57: {  	s31 =	simm.s32 $0x2;
	[sflag:s1] =	ssyncpa.u1 $0x1  }
0x58: {  	[sflag:s31] =	ssyncpa.u1 $0x1  }
0x59: {  	p0 =	sne.s32 s0, $0x0;
	_ =	strace $0x90000050  }
0x5a: {  	s0 =	sadd.s32 @!p0 $0x100000, s4;
	[bflag:$0x2] =	sbarrier.arrive $0xFFFF  }
0x5b: {  	[sflag:s0] =	ssyncadd.tile.s32 @!p0 $0x1;
	_ =	shalt  }
.Lfunc_end1:
_tile_overlayer_lowered:
.L_overlay_start_2:
0x5c: {  	(tag) =	ssettag $0x2  }
0x5d: {  	s0 =	rddreg [dreg:$0x0];
	s2 =	stileid.u32  }
0x5e: {  	s1 =	rddreg [dreg:$0x1];
	p0 =	sne.s32 s2, $0x0  }
0x5f: {  	s3 =	rddreg [dreg:$0x2];
	[bflag:$0x3] =	sbarrier.arrive $0xFFFF;
	s2 =	simm.s32 @!p0 $0x1C01  }
0x60: {  	[timem:s3], [sflag:s2] =	dma.local @!p0 [hbm:s0], s1  }
0x61: {  	s0 =	simm.s32 @!p0 $0x1  }
0x62: {  	_ =	swait.ge @!p0 [sflag:s0], s1  }
0x63: {  	s1 =	ssub.s32 @!p0 $0x0, s1;
	[sflag:s0] =	ssyncset.done @!p0 $0x0  }
0x64: {  	[sflag:s0] =	ssyncadd.s32 @!p0 s1  }
0x65: {  	[bflag:$0x3] =	sbarrier.arrive $0xFFFF  }
0x66: {  	_ =	shalt  }

</sc_bundles>
